<compile_context>
chip_gen: v7x
topology: tpu7x:2x2x1
jax: 0.10.2.dev20260603
libtpu: 0.0.44.dev20260713+nightly
codegen_flags: <defaults>
</compile_context>

<pallas_src>
import functools

import jax
import jax.numpy as jnp
from jax import lax
from jax.experimental import pallas as pl
from jax.experimental.pallas import tpu as pltpu
from jax.experimental.pallas import tpu_sc as plsc

B, S, D, P, TOPK = 1024, 50, 128, 1024, 20
NEG_BIG = -3.0e38
MASK_FILL = -1.0e7
ROWS = B * S
NW = 32
ROWS_PER_W = ROWS // NW
RB = 32
NBLK = ROWS_PER_W // RB



def _matmul_kernel(ss_ref, proto_ref, sim_ref, *, bb):
    ss = ss_ref[...].reshape(bb * S, D)
    sim_ref[...] = jax.lax.dot_general(
        ss, proto_ref[...],
        dimension_numbers=(((1,), (1,)), ((), ())),
        preferred_element_type=jnp.float32,
    )



_GDN = lax.GatherDimensionNumbers(
    offset_dims=(), collapsed_slice_dims=(0,), start_index_map=(0,))


def _perm(x, idx):
    return lax.gather(x, idx[:, None], dimension_numbers=_GDN,
                      slice_sizes=(1,),
                      mode=lax.GatherScatterMode.PROMISE_IN_BOUNDS)


def _vmax_splat(x):
    lanes = lax.iota(jnp.int32, 16)
    for d in (1, 2, 4, 8):
        x = jnp.maximum(x, _perm(x, lanes ^ d))
    return x


def _vmin_splat(x):
    lanes = lax.iota(jnp.int32, 16)
    for d in (1, 2, 4, 8):
        x = jnp.minimum(x, _perm(x, lanes ^ d))
    return x


def _sc_threshold(sim_hbm, out_hbm, buf, outbuf, sem):
    wid = lax.axis_index("s") * 2 + lax.axis_index("c")
    base = wid * ROWS_PER_W
    lanes = lax.iota(jnp.int32, 16)
    negv = jnp.full((16,), NEG_BIG, jnp.float32)

    def block_body(blk, _):
        r0 = base + blk * RB
        pltpu.async_copy(sim_hbm.at[pl.ds(r0 * P, RB * P)], buf, sem).wait()

        def row_chain(h):
            def row_body(i, acc):
                r = h * 16 + i
                rbase = r * 1024
                cm = buf[pl.ds(rbase, 16)]
                for v in range(1, 64):
                    cm = jnp.maximum(cm, buf[pl.ds(rbase + 16 * v, 16)])

                def pop(_, carry):
                    cm, _t = carry
                    gv = _vmax_splat(cm)
                    popm = cm == gv
                    l = _vmin_splat(jnp.where(popm, lanes,
                                              jnp.full((16,), 16,
                                                       jnp.int32)))
                    newm = negv
                    rbase_v = jnp.full((16,), rbase, jnp.int32)
                    for k in range(4):
                        idx = rbase_v + l + 16 * (lanes + 16 * k)
                        vals = plsc.load_gather(buf, [idx])
                        vals = jnp.where(vals < gv, vals, negv)
                        newm = jnp.maximum(newm, vals)
                    nm = _vmax_splat(newm)
                    cm = jnp.where(popm, nm, cm)
                    return (cm, gv)

                _cm, t = lax.fori_loop(0, TOPK, pop,
                                       (cm, jnp.zeros((16,), jnp.float32)))
                acc = jnp.where(lanes == jnp.full((16,), i, jnp.int32),
                                t, acc)
                return acc

            acc = lax.fori_loop(0, 16, row_body,
                                jnp.zeros((16,), jnp.float32))
            outbuf[pl.ds(16 * h, 16)] = acc

        row_chain(0)
        row_chain(1)
        pltpu.sync_copy(outbuf, out_hbm.at[pl.ds(r0, RB)])
        return 0

    lax.fori_loop(0, NBLK, block_body, 0)



def _finish_kernel(sim_ref, t_ref, proto_ref, bool_ref, emb_ref, *, bb):
    sim = sim_ref[...]
    sim3 = sim.reshape(bb, S, P)
    t3 = t_ref[...].reshape(bb, S, 1)
    in_topk = (sim3 >= t3).astype(jnp.float32)
    cnt = jnp.sum(in_topk, axis=1)
    mask = cnt >= jnp.float32(S)
    mean = jnp.mean(sim3, axis=1)
    masked = jnp.where(mask, mean, jnp.float32(MASK_FILL))
    m = jnp.max(masked, axis=-1, keepdims=True)
    e = jnp.exp(masked - m)
    dist = e / jnp.sum(e, axis=-1, keepdims=True)
    emb = jax.lax.dot_general(
        dist, proto_ref[...],
        dimension_numbers=(((1,), (0,)), ((), ())),
        preferred_element_type=jnp.float32,
    )
    norm = jnp.sqrt(jnp.sum(emb * emb, axis=-1, keepdims=True))
    emb = emb / jnp.maximum(norm, jnp.float32(1e-12))
    bool_ref[...] = mask
    emb_ref[...] = emb


def kernel(support_sets, proto_embs):
    bb = 16
    grid = (B // bb,)

    sim = pl.pallas_call(
        functools.partial(_matmul_kernel, bb=bb),
        grid=grid,
        in_specs=[
            pl.BlockSpec((bb, S, D), lambda i: (i, 0, 0)),
            pl.BlockSpec((P, D), lambda i: (0, 0)),
        ],
        out_specs=pl.BlockSpec((bb * S, P), lambda i: (i, 0)),
        out_shape=jax.ShapeDtypeStruct((ROWS, P), jnp.float32),
    )(support_sets, proto_embs)

    mesh = plsc.VectorSubcoreMesh(core_axis_name="c", subcore_axis_name="s")
    sc_fn = pl.kernel(
        _sc_threshold,
        mesh=mesh,
        compiler_params=pltpu.CompilerParams(needs_layout_passes=False),
        out_type=jax.ShapeDtypeStruct((ROWS,), jnp.float32),
        scratch_types=[
            pltpu.VMEM((RB * P,), jnp.float32),
            pltpu.VMEM((RB,), jnp.float32),
            pltpu.SemaphoreType.DMA,
        ],
    )
    t = sc_fn(sim.reshape(-1))

    out_bool, out_emb = pl.pallas_call(
        functools.partial(_finish_kernel, bb=bb),
        grid=grid,
        in_specs=[
            pl.BlockSpec((bb * S, P), lambda i: (i, 0)),
            pl.BlockSpec((bb * S, 1), lambda i: (i, 0)),
            pl.BlockSpec((P, D), lambda i: (0, 0)),
        ],
        out_specs=[
            pl.BlockSpec((bb, P), lambda i: (i, 0)),
            pl.BlockSpec((bb, D), lambda i: (i, 0)),
        ],
        out_shape=[
            jax.ShapeDtypeStruct((B, P), jnp.bool_),
            jax.ShapeDtypeStruct((B, D), jnp.float32),
        ],
    )(sim, t.reshape(ROWS, 1), proto_embs)
    return out_bool, out_emb

# --- scband reference (transcript-rebuilt; emitter-appended) ---
"""Pipeline reference for scband-interest-protos-4750233830078 (READ-ONLY COPY).

The authoritative reference and input builder live on the scoring server;
editing this copy changes nothing except your own understanding.
"""

import jax, jax.numpy as jnp
import numpy as np

B, S, D, P, TOPK = 1024, 50, 128, 1024, 20

def setup_inputs(seed: int = 0) -> dict:
    key = jax.random.key(seed)
    k1, k2 = jax.random.split(key)
    support_sets = jax.random.normal(k1, (B, S, D), dtype=jnp.float32)
    proto_embs = jax.random.normal(k2, (P, D), dtype=jnp.float32)
    proto_embs = proto_embs / jnp.clip(jnp.linalg.norm(proto_embs, axis=-1, keepdims=True), 1e-12)
    return {"support_sets": support_sets, "proto_embs": proto_embs}

def reference(support_sets, proto_embs):
    # get_main_protos: support_sets is detached in the torch code
    ss = jax.lax.stop_gradient(support_sets)
    sim = jnp.matmul(ss, proto_embs.T)                      # [B, S, P]
    _, ids = jax.lax.top_k(sim, TOPK)                        # [B, S, TOPK]
    b_idx = jnp.arange(sim.shape[0])[:, None, None]
    s_idx = jnp.arange(sim.shape[1])[None, :, None]
    main_protos_bool_bs = jnp.zeros(sim.shape, dtype=jnp.bool_).at[b_idx, s_idx, ids].set(True)
    main_protos_bool = jnp.all(main_protos_bool_bs, axis=-2)  # [B, P]
    main_protos_sim = sim.mean(axis=1)                       # [B, P]
    mb = main_protos_bool.astype(sim.dtype)
    main_protos_sim = main_protos_sim * mb - (1.0 - mb) * 1e7
    main_protos_dist = jax.nn.softmax(main_protos_sim, axis=-1)
    main_protos_embs = jnp.matmul(main_protos_dist, jax.lax.stop_gradient(proto_embs))
    main_protos_embs = main_protos_embs / jnp.clip(jnp.linalg.norm(main_protos_embs, axis=-1, keepdims=True), 1e-12)
    return (main_protos_bool, main_protos_embs)

if __name__ == "__main__":
    import jax
    _d = setup_inputs()
    print(jax.jit(kernel)(*tuple(_d.values())))

</pallas_src>

<mosaic_0001>
#map = affine_map<(d0, d1) -> (0)>
module attributes {stable_mosaic.version = 14 : i64} {
  func.func @_sc_threshold(%arg0: i32, %arg1: i32, %arg2: memref<52428800xf32, #tpu.memory_space<hbm>>, %arg3: memref<51200xf32, #tpu.memory_space<hbm>>, %arg4: memref<32768xf32, #tpu.memory_space<vmem>>, %arg5: memref<32xf32, #tpu.memory_space<vmem>>, %arg6: memref<!tpu.dma_semaphore, #tpu.memory_space<semaphore_mem>>) attributes {dimension_semantics = [#tpu.dimension_semantics<core_parallel>, #tpu.dimension_semantics<subcore_parallel>], iteration_bounds = array<i64: 2, 16>, scalar_prefetch = 0 : i64, scratch_operands = 3 : i64, tpu.core_type = #tpu.core_type<sc_vector_subcore>, window_params = [{transform_indices = #map}, {transform_indices = #map}]} {
    %mul3A = arith.constant 2 : i32
    %mul3A_0 = arith.muli %arg1, %mul3A : i32
    %add3A = arith.addi %mul3A_0, %arg0 : i32
    %mul3A_1 = arith.constant 1600 : i32
    %mul3A_2 = arith.muli %add3A, %mul3A_1 : i32
    %iota3A = tpu.iota {dimensions = array<i32: 0>} : vector<16xi32>
    %broadcast_in_dim3A = arith.constant -3.000000e+38 : f32
    %broadcast_in_dim3A_3 = vector.broadcast %broadcast_in_dim3A : f32 to vector<16xf32>
    %scan3A = arith.constant 0 : i32
    %scan3A_4 = arith.constant 0 : i32
    %scan3A_5 = arith.constant 50 : i32
    %scan3A_6 = arith.addi %scan3A_4, %scan3A_5 : i32
    %scan3A_7 = arith.constant 1 : i32
    %scan3A_8 = scf.for %scan3A_10 = %scan3A_4 to %scan3A_6 step %scan3A_7 iter_args(%scan3A_11 = %scan3A) -> (i32)  : i32 {
      %mul3A_12 = arith.constant 32 : i32
      %mul3A_13 = arith.muli %scan3A_10, %mul3A_12 : i32
      %add3A_14 = arith.addi %mul3A_2, %mul3A_13 : i32
      %mul3A_15 = arith.constant 1024 : i32
      %mul3A_16 = arith.muli %add3A_14, %mul3A_15 : i32
      %dma_start3A = tpu.memref_slice %arg2[%mul3A_16] : memref<52428800xf32, #tpu.memory_space<hbm>> -> memref<32768xf32, #tpu.memory_space<hbm>>
      %dma_start3A_17 = tpu.memref_slice %arg2[%mul3A_16] : memref<52428800xf32, #tpu.memory_space<hbm>> -> memref<32768xf32, #tpu.memory_space<hbm>>
      tpu.enqueue_dma source(%dma_start3A_17 : memref<32768xf32, #tpu.memory_space<hbm>>) target(%arg4 : memref<32768xf32, #tpu.memory_space<vmem>>) target_semaphore(%arg6 : memref<!tpu.dma_semaphore, #tpu.memory_space<semaphore_mem>>)
      %dma_wait3A = tpu.memref_slice %arg2[%mul3A_16] : memref<52428800xf32, #tpu.memory_space<hbm>> -> memref<32768xf32, #tpu.memory_space<hbm>>
      %dma_wait3A_18 = tpu.memref_slice %arg2[%mul3A_16] : memref<52428800xf32, #tpu.memory_space<hbm>> -> memref<32768xf32, #tpu.memory_space<hbm>>
      tpu.wait_dma2 semaphore(%arg6 : memref<!tpu.dma_semaphore, #tpu.memory_space<semaphore_mem>>) src(%dma_wait3A_18 : memref<32768xf32, #tpu.memory_space<hbm>>) dst(%arg4 : memref<32768xf32, #tpu.memory_space<vmem>>)
      %broadcast_in_dim3A_19 = arith.constant 0.000000e+00 : f32
      %broadcast_in_dim3A_20 = vector.broadcast %broadcast_in_dim3A_19 : f32 to vector<16xf32>
      %scan3A_21 = arith.constant 0 : i32
      %scan3A_22 = arith.constant 16 : i32
      %scan3A_23 = arith.addi %scan3A_21, %scan3A_22 : i32
      %scan3A_24 = arith.constant 1 : i32
      %scan3A_25 = scf.for %scan3A_39 = %scan3A_21 to %scan3A_23 step %scan3A_24 iter_args(%scan3A_40 = %broadcast_in_dim3A_20) -> (vector<16xf32>)  : i32 {
        %add3A_41 = arith.constant 0 : i32
        %add3A_42 = arith.addi %add3A_41, %scan3A_39 : i32
        %mul3A_43 = arith.constant 1024 : i32
        %mul3A_44 = arith.muli %add3A_42, %mul3A_43 : i32
        %get3A = arith.index_cast %mul3A_44 : i32 to index
        %get3A_45 = tpu.vector_load %arg4[%get3A] {strides = array<i32>} : memref<32768xf32, #tpu.memory_space<vmem>>, vector<16xf32>,
        %add3A_46 = arith.constant 16 : i32
        %add3A_47 = arith.addi %mul3A_44, %add3A_46 : i32
        %get3A_48 = arith.index_cast %add3A_47 : i32 to index
        %get3A_49 = tpu.vector_load %arg4[%get3A_48] {strides = array<i32>} : memref<32768xf32, #tpu.memory_space<vmem>>, vector<16xf32>,
        %max3A = arith.maximumf %get3A_45, %get3A_49 : vector<16xf32>
        %add3A_50 = arith.constant 32 : i32
        %add3A_51 = arith.addi %mul3A_44, %add3A_50 : i32
        %get3A_52 = arith.index_cast %add3A_51 : i32 to index
        %get3A_53 = tpu.vector_load %arg4[%get3A_52] {strides = array<i32>} : memref<32768xf32, #tpu.memory_space<vmem>>, vector<16xf32>,
        %max3A_54 = arith.maximumf %max3A, %get3A_53 : vector<16xf32>
        %add3A_55 = arith.constant 48 : i32
        %add3A_56 = arith.addi %mul3A_44, %add3A_55 : i32
        %get3A_57 = arith.index_cast %add3A_56 : i32 to index
        %get3A_58 = tpu.vector_load %arg4[%get3A_57] {strides = array<i32>} : memref<32768xf32, #tpu.memory_space<vmem>>, vector<16xf32>,
        %max3A_59 = arith.maximumf %max3A_54, %get3A_58 : vector<16xf32>
        %add3A_60 = arith.constant 64 : i32
        %add3A_61 = arith.addi %mul3A_44, %add3A_60 : i32
        %get3A_62 = arith.index_cast %add3A_61 : i32 to index
        %get3A_63 = tpu.vector_load %arg4[%get3A_62] {strides = array<i32>} : memref<32768xf32, #tpu.memory_space<vmem>>, vector<16xf32>,
        %max3A_64 = arith.maximumf %max3A_59, %get3A_63 : vector<16xf32>
        %add3A_65 = arith.constant 80 : i32
        %add3A_66 = arith.addi %mul3A_44, %add3A_65 : i32
        %get3A_67 = arith.index_cast %add3A_66 : i32 to index
        %get3A_68 = tpu.vector_load %arg4[%get3A_67] {strides = array<i32>} : memref<32768xf32, #tpu.memory_space<vmem>>, vector<16xf32>,
        %max3A_69 = arith.maximumf %max3A_64, %get3A_68 : vector<16xf32>
        %add3A_70 = arith.constant 96 : i32
        %add3A_71 = arith.addi %mul3A_44, %add3A_70 : i32
        %get3A_72 = arith.index_cast %add3A_71 : i32 to index
        %get3A_73 = tpu.vector_load %arg4[%get3A_72] {strides = array<i32>} : memref<32768xf32, #tpu.memory_space<vmem>>, vector<16xf32>,
        %max3A_74 = arith.maximumf %max3A_69, %get3A_73 : vector<16xf32>
        %add3A_75 = arith.constant 112 : i32
        %add3A_76 = arith.addi %mul3A_44, %add3A_75 : i32
        %get3A_77 = arith.index_cast %add3A_76 : i32 to index
        %get3A_78 = tpu.vector_load %arg4[%get3A_77] {strides = array<i32>} : memref<32768xf32, #tpu.memory_space<vmem>>, vector<16xf32>,
        %max3A_79 = arith.maximumf %max3A_74, %get3A_78 : vector<16xf32>
        %add3A_80 = arith.constant 128 : i32
        %add3A_81 = arith.addi %mul3A_44, %add3A_80 : i32
        %get3A_82 = arith.index_cast %add3A_81 : i32 to index
        %get3A_83 = tpu.vector_load %arg4[%get3A_82] {strides = array<i32>} : memref<32768xf32, #tpu.memory_space<vmem>>, vector<16xf32>,
        %max3A_84 = arith.maximumf %max3A_79, %get3A_83 : vector<16xf32>
        %add3A_85 = arith.constant 144 : i32
        %add3A_86 = arith.addi %mul3A_44, %add3A_85 : i32
        %get3A_87 = arith.index_cast %add3A_86 : i32 to index
        %get3A_88 = tpu.vector_load %arg4[%get3A_87] {strides = array<i32>} : memref<32768xf32, #tpu.memory_space<vmem>>, vector<16xf32>,
        %max3A_89 = arith.maximumf %max3A_84, %get3A_88 : vector<16xf32>
        %add3A_90 = arith.constant 160 : i32
        %add3A_91 = arith.addi %mul3A_44, %add3A_90 : i32
        %get3A_92 = arith.index_cast %add3A_91 : i32 to index
        %get3A_93 = tpu.vector_load %arg4[%get3A_92] {strides = array<i32>} : memref<32768xf32, #tpu.memory_space<vmem>>, vector<16xf32>,
        %max3A_94 = arith.maximumf %max3A_89, %get3A_93 : vector<16xf32>
        %add3A_95 = arith.constant 176 : i32
        %add3A_96 = arith.addi %mul3A_44, %add3A_95 : i32
        %get3A_97 = arith.index_cast %add3A_96 : i32 to index
        %get3A_98 = tpu.vector_load %arg4[%get3A_97] {strides = array<i32>} : memref<32768xf32, #tpu.memory_space<vmem>>, vector<16xf32>,
        %max3A_99 = arith.maximumf %max3A_94, %get3A_98 : vector<16xf32>
        %add3A_100 = arith.constant 192 : i32
        %add3A_101 = arith.addi %mul3A_44, %add3A_100 : i32
        %get3A_102 = arith.index_cast %add3A_101 : i32 to index
        %get3A_103 = tpu.vector_load %arg4[%get3A_102] {strides = array<i32>} : memref<32768xf32, #tpu.memory_space<vmem>>, vector<16xf32>,
        %max3A_104 = arith.maximumf %max3A_99, %get3A_103 : vector<16xf32>
        %add3A_105 = arith.constant 208 : i32
        %add3A_106 = arith.addi %mul3A_44, %add3A_105 : i32
        %get3A_107 = arith.index_cast %add3A_106 : i32 to index
        %get3A_108 = tpu.vector_load %arg4[%get3A_107] {strides = array<i32>} : memref<32768xf32, #tpu.memory_space<vmem>>, vector<16xf32>,
        %max3A_109 = arith.maximumf %max3A_104, %get3A_108 : vector<16xf32>
        %add3A_110 = arith.constant 224 : i32
        %add3A_111 = arith.addi %mul3A_44, %add3A_110 : i32
        %get3A_112 = arith.index_cast %add3A_111 : i32 to index
        %get3A_113 = tpu.vector_load %arg4[%get3A_112] {strides = array<i32>} : memref<32768xf32, #tpu.memory_space<vmem>>, vector<16xf32>,
        %max3A_114 = arith.maximumf %max3A_109, %get3A_113 : vector<16xf32>
        %add3A_115 = arith.constant 240 : i32
        %add3A_116 = arith.addi %mul3A_44, %add3A_115 : i32
        %get3A_117 = arith.index_cast %add3A_116 : i32 to index
        %get3A_118 = tpu.vector_load %arg4[%get3A_117] {strides = array<i32>} : memref<32768xf32, #tpu.memory_space<vmem>>, vector<16xf32>,
        %max3A_119 = arith.maximumf %max3A_114, %get3A_118 : vector<16xf32>
        %add3A_120 = arith.constant 256 : i32
        %add3A_121 = arith.addi %mul3A_44, %add3A_120 : i32
        %get3A_122 = arith.index_cast %add3A_121 : i32 to index
        %get3A_123 = tpu.vector_load %arg4[%get3A_122] {strides = array<i32>} : memref<32768xf32, #tpu.memory_space<vmem>>, vector<16xf32>,
        %max3A_124 = arith.maximumf %max3A_119, %get3A_123 : vector<16xf32>
        %add3A_125 = arith.constant 272 : i32
        %add3A_126 = arith.addi %mul3A_44, %add3A_125 : i32
        %get3A_127 = arith.index_cast %add3A_126 : i32 to index
        %get3A_128 = tpu.vector_load %arg4[%get3A_127] {strides = array<i32>} : memref<32768xf32, #tpu.memory_space<vmem>>, vector<16xf32>,
        %max3A_129 = arith.maximumf %max3A_124, %get3A_128 : vector<16xf32>
        %add3A_130 = arith.constant 288 : i32
        %add3A_131 = arith.addi %mul3A_44, %add3A_130 : i32
        %get3A_132 = arith.index_cast %add3A_131 : i32 to index
        %get3A_133 = tpu.vector_load %arg4[%get3A_132] {strides = array<i32>} : memref<32768xf32, #tpu.memory_space<vmem>>, vector<16xf32>,
        %max3A_134 = arith.maximumf %max3A_129, %get3A_133 : vector<16xf32>
        %add3A_135 = arith.constant 304 : i32
        %add3A_136 = arith.addi %mul3A_44, %add3A_135 : i32
        %get3A_137 = arith.index_cast %add3A_136 : i32 to index
        %get3A_138 = tpu.vector_load %arg4[%get3A_137] {strides = array<i32>} : memref<32768xf32, #tpu.memory_space<vmem>>, vector<16xf32>,
        %max3A_139 = arith.maximumf %max3A_134, %get3A_138 : vector<16xf32>
        %add3A_140 = arith.constant 320 : i32
        %add3A_141 = arith.addi %mul3A_44, %add3A_140 : i32
        %get3A_142 = arith.index_cast %add3A_141 : i32 to index
        %get3A_143 = tpu.vector_load %arg4[%get3A_142] {strides = array<i32>} : memref<32768xf32, #tpu.memory_space<vmem>>, vector<16xf32>,
        %max3A_144 = arith.maximumf %max3A_139, %get3A_143 : vector<16xf32>
        %add3A_145 = arith.constant 336 : i32
        %add3A_146 = arith.addi %mul3A_44, %add3A_145 : i32
        %get3A_147 = arith.index_cast %add3A_146 : i32 to index
        %get3A_148 = tpu.vector_load %arg4[%get3A_147] {strides = array<i32>} : memref<32768xf32, #tpu.memory_space<vmem>>, vector<16xf32>,
        %max3A_149 = arith.maximumf %max3A_144, %get3A_148 : vector<16xf32>
        %add3A_150 = arith.constant 352 : i32
        %add3A_151 = arith.addi %mul3A_44, %add3A_150 : i32
        %get3A_152 = arith.index_cast %add3A_151 : i32 to index
        %get3A_153 = tpu.vector_load %arg4[%get3A_152] {strides = array<i32>} : memref<32768xf32, #tpu.memory_space<vmem>>, vector<16xf32>,
        %max3A_154 = arith.maximumf %max3A_149, %get3A_153 : vector<16xf32>
        %add3A_155 = arith.constant 368 : i32
        %add3A_156 = arith.addi %mul3A_44, %add3A_155 : i32
        %get3A_157 = arith.index_cast %add3A_156 : i32 to index
        %get3A_158 = tpu.vector_load %arg4[%get3A_157] {strides = array<i32>} : memref<32768xf32, #tpu.memory_space<vmem>>, vector<16xf32>,
        %max3A_159 = arith.maximumf %max3A_154, %get3A_158 : vector<16xf32>
        %add3A_160 = arith.constant 384 : i32
        %add3A_161 = arith.addi %mul3A_44, %add3A_160 : i32
        %get3A_162 = arith.index_cast %add3A_161 : i32 to index
        %get3A_163 = tpu.vector_load %arg4[%get3A_162] {strides = array<i32>} : memref<32768xf32, #tpu.memory_space<vmem>>, vector<16xf32>,
        %max3A_164 = arith.maximumf %max3A_159, %get3A_163 : vector<16xf32>
        %add3A_165 = arith.constant 400 : i32
        %add3A_166 = arith.addi %mul3A_44, %add3A_165 : i32
        %get3A_167 = arith.index_cast %add3A_166 : i32 to index
        %get3A_168 = tpu.vector_load %arg4[%get3A_167] {strides = array<i32>} : memref<32768xf32, #tpu.memory_space<vmem>>, vector<16xf32>,
        %max3A_169 = arith.maximumf %max3A_164, %get3A_168 : vector<16xf32>
        %add3A_170 = arith.constant 416 : i32
        %add3A_171 = arith.addi %mul3A_44, %add3A_170 : i32
        %get3A_172 = arith.index_cast %add3A_171 : i32 to index
        %get3A_173 = tpu.vector_load %arg4[%get3A_172] {strides = array<i32>} : memref<32768xf32, #tpu.memory_space<vmem>>, vector<16xf32>,
        %max3A_174 = arith.maximumf %max3A_169, %get3A_173 : vector<16xf32>
        %add3A_175 = arith.constant 432 : i32
        %add3A_176 = arith.addi %mul3A_44, %add3A_175 : i32
        %get3A_177 = arith.index_cast %add3A_176 : i32 to index
        %get3A_178 = tpu.vector_load %arg4[%get3A_177] {strides = array<i32>} : memref<32768xf32, #tpu.memory_space<vmem>>, vector<16xf32>,
        %max3A_179 = arith.maximumf %max3A_174, %get3A_178 : vector<16xf32>
        %add3A_180 = arith.constant 448 : i32
        %add3A_181 = arith.addi %mul3A_44, %add3A_180 : i32
        %get3A_182 = arith.index_cast %add3A_181 : i32 to index
        %get3A_183 = tpu.vector_load %arg4[%get3A_182] {strides = array<i32>} : memref<32768xf32, #tpu.memory_space<vmem>>, vector<16xf32>,
        %max3A_184 = arith.maximumf %max3A_179, %get3A_183 : vector<16xf32>
        %add3A_185 = arith.constant 464 : i32
        %add3A_186 = arith.addi %mul3A_44, %add3A_185 : i32
        %get3A_187 = arith.index_cast %add3A_186 : i32 to index
        %get3A_188 = tpu.vector_load %arg4[%get3A_187] {strides = array<i32>} : memref<32768xf32, #tpu.memory_space<vmem>>, vector<16xf32>,
        %max3A_189 = arith.maximumf %max3A_184, %get3A_188 : vector<16xf32>
        %add3A_190 = arith.constant 480 : i32
        %add3A_191 = arith.addi %mul3A_44, %add3A_190 : i32
        %get3A_192 = arith.index_cast %add3A_191 : i32 to index
        %get3A_193 = tpu.vector_load %arg4[%get3A_192] {strides = array<i32>} : memref<32768xf32, #tpu.memory_space<vmem>>, vector<16xf32>,
        %max3A_194 = arith.maximumf %max3A_189, %get3A_193 : vector<16xf32>
        %add3A_195 = arith.constant 496 : i32
        %add3A_196 = arith.addi %mul3A_44, %add3A_195 : i32
        %get3A_197 = arith.index_cast %add3A_196 : i32 to index
        %get3A_198 = tpu.vector_load %arg4[%get3A_197] {strides = array<i32>} : memref<32768xf32, #tpu.memory_space<vmem>>, vector<16xf32>,
        %max3A_199 = arith.maximumf %max3A_194, %get3A_198 : vector<16xf32>
        %add3A_200 = arith.constant 512 : i32
        %add3A_201 = arith.addi %mul3A_44, %add3A_200 : i32
        %get3A_202 = arith.index_cast %add3A_201 : i32 to index
        %get3A_203 = tpu.vector_load %arg4[%get3A_202] {strides = array<i32>} : memref<32768xf32, #tpu.memory_space<vmem>>, vector<16xf32>,
        %max3A_204 = arith.maximumf %max3A_199, %get3A_203 : vector<16xf32>
        %add3A_205 = arith.constant 528 : i32
        %add3A_206 = arith.addi %mul3A_44, %add3A_205 : i32
        %get3A_207 = arith.index_cast %add3A_206 : i32 to index
        %get3A_208 = tpu.vector_load %arg4[%get3A_207] {strides = array<i32>} : memref<32768xf32, #tpu.memory_space<vmem>>, vector<16xf32>,
        %max3A_209 = arith.maximumf %max3A_204, %get3A_208 : vector<16xf32>
        %add3A_210 = arith.constant 544 : i32
        %add3A_211 = arith.addi %mul3A_44, %add3A_210 : i32
        %get3A_212 = arith.index_cast %add3A_211 : i32 to index
        %get3A_213 = tpu.vector_load %arg4[%get3A_212] {strides = array<i32>} : memref<32768xf32, #tpu.memory_space<vmem>>, vector<16xf32>,
        %max3A_214 = arith.maximumf %max3A_209, %get3A_213 : vector<16xf32>
        %add3A_215 = arith.constant 560 : i32
        %add3A_216 = arith.addi %mul3A_44, %add3A_215 : i32
        %get3A_217 = arith.index_cast %add3A_216 : i32 to index
        %get3A_218 = tpu.vector_load %arg4[%get3A_217] {strides = array<i32>} : memref<32768xf32, #tpu.memory_space<vmem>>, vector<16xf32>,
        %max3A_219 = arith.maximumf %max3A_214, %get3A_218 : vector<16xf32>
        %add3A_220 = arith.constant 576 : i32
        %add3A_221 = arith.addi %mul3A_44, %add3A_220 : i32
        %get3A_222 = arith.index_cast %add3A_221 : i32 to index
        %get3A_223 = tpu.vector_load %arg4[%get3A_222] {strides = array<i32>} : memref<32768xf32, #tpu.memory_space<vmem>>, vector<16xf32>,
        %max3A_224 = arith.maximumf %max3A_219, %get3A_223 : vector<16xf32>
        %add3A_225 = arith.constant 592 : i32
        %add3A_226 = arith.addi %mul3A_44, %add3A_225 : i32
        %get3A_227 = arith.index_cast %add3A_226 : i32 to index
        %get3A_228 = tpu.vector_load %arg4[%get3A_227] {strides = array<i32>} : memref<32768xf32, #tpu.memory_space<vmem>>, vector<16xf32>,
        %max3A_229 = arith.maximumf %max3A_224, %get3A_228 : vector<16xf32>
        %add3A_230 = arith.constant 608 : i32
        %add3A_231 = arith.addi %mul3A_44, %add3A_230 : i32
        %get3A_232 = arith.index_cast %add3A_231 : i32 to index
        %get3A_233 = tpu.vector_load %arg4[%get3A_232] {strides = array<i32>} : memref<32768xf32, #tpu.memory_space<vmem>>, vector<16xf32>,
        %max3A_234 = arith.maximumf %max3A_229, %get3A_233 : vector<16xf32>
        %add3A_235 = arith.constant 624 : i32
        %add3A_236 = arith.addi %mul3A_44, %add3A_235 : i32
        %get3A_237 = arith.index_cast %add3A_236 : i32 to index
        %get3A_238 = tpu.vector_load %arg4[%get3A_237] {strides = array<i32>} : memref<32768xf32, #tpu.memory_space<vmem>>, vector<16xf32>,
        %max3A_239 = arith.maximumf %max3A_234, %get3A_238 : vector<16xf32>
        %add3A_240 = arith.constant 640 : i32
        %add3A_241 = arith.addi %mul3A_44, %add3A_240 : i32
        %get3A_242 = arith.index_cast %add3A_241 : i32 to index
        %get3A_243 = tpu.vector_load %arg4[%get3A_242] {strides = array<i32>} : memref<32768xf32, #tpu.memory_space<vmem>>, vector<16xf32>,
        %max3A_244 = arith.maximumf %max3A_239, %get3A_243 : vector<16xf32>
        %add3A_245 = arith.constant 656 : i32
        %add3A_246 = arith.addi %mul3A_44, %add3A_245 : i32
        %get3A_247 = arith.index_cast %add3A_246 : i32 to index
        %get3A_248 = tpu.vector_load %arg4[%get3A_247] {strides = array<i32>} : memref<32768xf32, #tpu.memory_space<vmem>>, vector<16xf32>,
        %max3A_249 = arith.maximumf %max3A_244, %get3A_248 : vector<16xf32>
        %add3A_250 = arith.constant 672 : i32
        %add3A_251 = arith.addi %mul3A_44, %add3A_250 : i32
        %get3A_252 = arith.index_cast %add3A_251 : i32 to index
        %get3A_253 = tpu.vector_load %arg4[%get3A_252] {strides = array<i32>} : memref<32768xf32, #tpu.memory_space<vmem>>, vector<16xf32>,
        %max3A_254 = arith.maximumf %max3A_249, %get3A_253 : vector<16xf32>
        %add3A_255 = arith.constant 688 : i32
        %add3A_256 = arith.addi %mul3A_44, %add3A_255 : i32
        %get3A_257 = arith.index_cast %add3A_256 : i32 to index
        %get3A_258 = tpu.vector_load %arg4[%get3A_257] {strides = array<i32>} : memref<32768xf32, #tpu.memory_space<vmem>>, vector<16xf32>,
        %max3A_259 = arith.maximumf %max3A_254, %get3A_258 : vector<16xf32>
        %add3A_260 = arith.constant 704 : i32
        %add3A_261 = arith.addi %mul3A_44, %add3A_260 : i32
        %get3A_262 = arith.index_cast %add3A_261 : i32 to index
        %get3A_263 = tpu.vector_load %arg4[%get3A_262] {strides = array<i32>} : memref<32768xf32, #tpu.memory_space<vmem>>, vector<16xf32>,
        %max3A_264 = arith.maximumf %max3A_259, %get3A_263 : vector<16xf32>
        %add3A_265 = arith.constant 720 : i32
        %add3A_266 = arith.addi %mul3A_44, %add3A_265 : i32
        %get3A_267 = arith.index_cast %add3A_266 : i32 to index
        %get3A_268 = tpu.vector_load %arg4[%get3A_267] {strides = array<i32>} : memref<32768xf32, #tpu.memory_space<vmem>>, vector<16xf32>,
        %max3A_269 = arith.maximumf %max3A_264, %get3A_268 : vector<16xf32>
        %add3A_270 = arith.constant 736 : i32
        %add3A_271 = arith.addi %mul3A_44, %add3A_270 : i32
        %get3A_272 = arith.index_cast %add3A_271 : i32 to index
        %get3A_273 = tpu.vector_load %arg4[%get3A_272] {strides = array<i32>} : memref<32768xf32, #tpu.memory_space<vmem>>, vector<16xf32>,
        %max3A_274 = arith.maximumf %max3A_269, %get3A_273 : vector<16xf32>
        %add3A_275 = arith.constant 752 : i32
        %add3A_276 = arith.addi %mul3A_44, %add3A_275 : i32
        %get3A_277 = arith.index_cast %add3A_276 : i32 to index
        %get3A_278 = tpu.vector_load %arg4[%get3A_277] {strides = array<i32>} : memref<32768xf32, #tpu.memory_space<vmem>>, vector<16xf32>,
        %max3A_279 = arith.maximumf %max3A_274, %get3A_278 : vector<16xf32>
        %add3A_280 = arith.constant 768 : i32
        %add3A_281 = arith.addi %mul3A_44, %add3A_280 : i32
        %get3A_282 = arith.index_cast %add3A_281 : i32 to index
        %get3A_283 = tpu.vector_load %arg4[%get3A_282] {strides = array<i32>} : memref<32768xf32, #tpu.memory_space<vmem>>, vector<16xf32>,
        %max3A_284 = arith.maximumf %max3A_279, %get3A_283 : vector<16xf32>
        %add3A_285 = arith.constant 784 : i32
        %add3A_286 = arith.addi %mul3A_44, %add3A_285 : i32
        %get3A_287 = arith.index_cast %add3A_286 : i32 to index
        %get3A_288 = tpu.vector_load %arg4[%get3A_287] {strides = array<i32>} : memref<32768xf32, #tpu.memory_space<vmem>>, vector<16xf32>,
        %max3A_289 = arith.maximumf %max3A_284, %get3A_288 : vector<16xf32>
        %add3A_290 = arith.constant 800 : i32
        %add3A_291 = arith.addi %mul3A_44, %add3A_290 : i32
        %get3A_292 = arith.index_cast %add3A_291 : i32 to index
        %get3A_293 = tpu.vector_load %arg4[%get3A_292] {strides = array<i32>} : memref<32768xf32, #tpu.memory_space<vmem>>, vector<16xf32>,
        %max3A_294 = arith.maximumf %max3A_289, %get3A_293 : vector<16xf32>
        %add3A_295 = arith.constant 816 : i32
        %add3A_296 = arith.addi %mul3A_44, %add3A_295 : i32
        %get3A_297 = arith.index_cast %add3A_296 : i32 to index
        %get3A_298 = tpu.vector_load %arg4[%get3A_297] {strides = array<i32>} : memref<32768xf32, #tpu.memory_space<vmem>>, vector<16xf32>,
        %max3A_299 = arith.maximumf %max3A_294, %get3A_298 : vector<16xf32>
        %add3A_300 = arith.constant 832 : i32
        %add3A_301 = arith.addi %mul3A_44, %add3A_300 : i32
        %get3A_302 = arith.index_cast %add3A_301 : i32 to index
        %get3A_303 = tpu.vector_load %arg4[%get3A_302] {strides = array<i32>} : memref<32768xf32, #tpu.memory_space<vmem>>, vector<16xf32>,
        %max3A_304 = arith.maximumf %max3A_299, %get3A_303 : vector<16xf32>
        %add3A_305 = arith.constant 848 : i32
        %add3A_306 = arith.addi %mul3A_44, %add3A_305 : i32
        %get3A_307 = arith.index_cast %add3A_306 : i32 to index
        %get3A_308 = tpu.vector_load %arg4[%get3A_307] {strides = array<i32>} : memref<32768xf32, #tpu.memory_space<vmem>>, vector<16xf32>,
        %max3A_309 = arith.maximumf %max3A_304, %get3A_308 : vector<16xf32>
        %add3A_310 = arith.constant 864 : i32
        %add3A_311 = arith.addi %mul3A_44, %add3A_310 : i32
        %get3A_312 = arith.index_cast %add3A_311 : i32 to index
        %get3A_313 = tpu.vector_load %arg4[%get3A_312] {strides = array<i32>} : memref<32768xf32, #tpu.memory_space<vmem>>, vector<16xf32>,
        %max3A_314 = arith.maximumf %max3A_309, %get3A_313 : vector<16xf32>
        %add3A_315 = arith.constant 880 : i32
        %add3A_316 = arith.addi %mul3A_44, %add3A_315 : i32
        %get3A_317 = arith.index_cast %add3A_316 : i32 to index
        %get3A_318 = tpu.vector_load %arg4[%get3A_317] {strides = array<i32>} : memref<32768xf32, #tpu.memory_space<vmem>>, vector<16xf32>,
        %max3A_319 = arith.maximumf %max3A_314, %get3A_318 : vector<16xf32>
        %add3A_320 = arith.constant 896 : i32
        %add3A_321 = arith.addi %mul3A_44, %add3A_320 : i32
        %get3A_322 = arith.index_cast %add3A_321 : i32 to index
        %get3A_323 = tpu.vector_load %arg4[%get3A_322] {strides = array<i32>} : memref<32768xf32, #tpu.memory_space<vmem>>, vector<16xf32>,
        %max3A_324 = arith.maximumf %max3A_319, %get3A_323 : vector<16xf32>
        %add3A_325 = arith.constant 912 : i32
        %add3A_326 = arith.addi %mul3A_44, %add3A_325 : i32
        %get3A_327 = arith.index_cast %add3A_326 : i32 to index
        %get3A_328 = tpu.vector_load %arg4[%get3A_327] {strides = array<i32>} : memref<32768xf32, #tpu.memory_space<vmem>>, vector<16xf32>,
        %max3A_329 = arith.maximumf %max3A_324, %get3A_328 : vector<16xf32>
        %add3A_330 = arith.constant 928 : i32
        %add3A_331 = arith.addi %mul3A_44, %add3A_330 : i32
        %get3A_332 = arith.index_cast %add3A_331 : i32 to index
        %get3A_333 = tpu.vector_load %arg4[%get3A_332] {strides = array<i32>} : memref<32768xf32, #tpu.memory_space<vmem>>, vector<16xf32>,
        %max3A_334 = arith.maximumf %max3A_329, %get3A_333 : vector<16xf32>
        %add3A_335 = arith.constant 944 : i32
        %add3A_336 = arith.addi %mul3A_44, %add3A_335 : i32
        %get3A_337 = arith.index_cast %add3A_336 : i32 to index
        %get3A_338 = tpu.vector_load %arg4[%get3A_337] {strides = array<i32>} : memref<32768xf32, #tpu.memory_space<vmem>>, vector<16xf32>,
        %max3A_339 = arith.maximumf %max3A_334, %get3A_338 : vector<16xf32>
        %add3A_340 = arith.constant 960 : i32
        %add3A_341 = arith.addi %mul3A_44, %add3A_340 : i32
        %get3A_342 = arith.index_cast %add3A_341 : i32 to index
        %get3A_343 = tpu.vector_load %arg4[%get3A_342] {strides = array<i32>} : memref<32768xf32, #tpu.memory_space<vmem>>, vector<16xf32>,
        %max3A_344 = arith.maximumf %max3A_339, %get3A_343 : vector<16xf32>
        %add3A_345 = arith.constant 976 : i32
        %add3A_346 = arith.addi %mul3A_44, %add3A_345 : i32
        %get3A_347 = arith.index_cast %add3A_346 : i32 to index
        %get3A_348 = tpu.vector_load %arg4[%get3A_347] {strides = array<i32>} : memref<32768xf32, #tpu.memory_space<vmem>>, vector<16xf32>,
        %max3A_349 = arith.maximumf %max3A_344, %get3A_348 : vector<16xf32>
        %add3A_350 = arith.constant 992 : i32
        %add3A_351 = arith.addi %mul3A_44, %add3A_350 : i32
        %get3A_352 = arith.index_cast %add3A_351 : i32 to index
        %get3A_353 = tpu.vector_load %arg4[%get3A_352] {strides = array<i32>} : memref<32768xf32, #tpu.memory_space<vmem>>, vector<16xf32>,
        %max3A_354 = arith.maximumf %max3A_349, %get3A_353 : vector<16xf32>
        %add3A_355 = arith.constant 1008 : i32
        %add3A_356 = arith.addi %mul3A_44, %add3A_355 : i32
        %get3A_357 = arith.index_cast %add3A_356 : i32 to index
        %get3A_358 = tpu.vector_load %arg4[%get3A_357] {strides = array<i32>} : memref<32768xf32, #tpu.memory_space<vmem>>, vector<16xf32>,
        %max3A_359 = arith.maximumf %max3A_354, %get3A_358 : vector<16xf32>
        %broadcast_in_dim3A_360 = arith.constant 0.000000e+00 : f32
        %broadcast_in_dim3A_361 = vector.broadcast %broadcast_in_dim3A_360 : f32 to vector<16xf32>
        %scan3A_362 = arith.constant 0 : i32
        %scan3A_363 = arith.constant 20 : i32
        %scan3A_364 = arith.addi %scan3A_362, %scan3A_363 : i32
        %scan3A_365 = arith.constant 1 : i32
        %scan3A_366:2 = scf.for %scan3A_369 = %scan3A_362 to %scan3A_364 step %scan3A_365 iter_args(%scan3A_370 = %max3A_359, %scan3A_371 = %broadcast_in_dim3A_361) -> (vector<16xf32>, vector<16xf32>)  : i32 {
          %iota3A_372 = tpu.iota {dimensions = array<i32: 0>} : vector<16xi32>
          %xor3A = arith.constant 1 : i32
          %xor3A_373 = vector.broadcast %xor3A : i32 to vector<16xi32>
          %xor3A_374 = arith.xori %iota3A_372, %xor3A_373 : vector<16xi32>
          %broadcast_in_dim3A_375 = vector.shape_cast %xor3A_374 : vector<16xi32> to vector<16x1xi32>
          %gather3A = vector.shape_cast %broadcast_in_dim3A_375 : vector<16x1xi32> to vector<16xi32>
          %gather3A_376 = tpu.dynamic_gather %scan3A_370[%gather3A] in [0] : vector<16xf32>, vector<16xi32> -> vector<16xf32>
          %max3A_377 = arith.maximumf %scan3A_370, %gather3A_376 : vector<16xf32>
          %xor3A_378 = arith.constant 2 : i32
          %xor3A_379 = vector.broadcast %xor3A_378 : i32 to vector<16xi32>
          %xor3A_380 = arith.xori %iota3A_372, %xor3A_379 : vector<16xi32>
          %broadcast_in_dim3A_381 = vector.shape_cast %xor3A_380 : vector<16xi32> to vector<16x1xi32>
          %gather3A_382 = vector.shape_cast %broadcast_in_dim3A_381 : vector<16x1xi32> to vector<16xi32>
          %gather3A_383 = tpu.dynamic_gather %max3A_377[%gather3A_382] in [0] : vector<16xf32>, vector<16xi32> -> vector<16xf32>
          %max3A_384 = arith.maximumf %max3A_377, %gather3A_383 : vector<16xf32>
          %xor3A_385 = arith.constant 4 : i32
          %xor3A_386 = vector.broadcast %xor3A_385 : i32 to vector<16xi32>
          %xor3A_387 = arith.xori %iota3A_372, %xor3A_386 : vector<16xi32>
          %broadcast_in_dim3A_388 = vector.shape_cast %xor3A_387 : vector<16xi32> to vector<16x1xi32>
          %gather3A_389 = vector.shape_cast %broadcast_in_dim3A_388 : vector<16x1xi32> to vector<16xi32>
          %gather3A_390 = tpu.dynamic_gather %max3A_384[%gather3A_389] in [0] : vector<16xf32>, vector<16xi32> -> vector<16xf32>
          %max3A_391 = arith.maximumf %max3A_384, %gather3A_390 : vector<16xf32>
          %xor3A_392 = arith.constant 8 : i32
          %xor3A_393 = vector.broadcast %xor3A_392 : i32 to vector<16xi32>
          %xor3A_394 = arith.xori %iota3A_372, %xor3A_393 : vector<16xi32>
          %broadcast_in_dim3A_395 = vector.shape_cast %xor3A_394 : vector<16xi32> to vector<16x1xi32>
          %gather3A_396 = vector.shape_cast %broadcast_in_dim3A_395 : vector<16x1xi32> to vector<16xi32>
          %gather3A_397 = tpu.dynamic_gather %max3A_391[%gather3A_396] in [0] : vector<16xf32>, vector<16xi32> -> vector<16xf32>
          %max3A_398 = arith.maximumf %max3A_391, %gather3A_397 : vector<16xf32>
          %eq3A_399 = arith.cmpf oeq, %scan3A_370, %max3A_398 : vector<16xf32>
          %broadcast_in_dim3A_400 = arith.constant 16 : i32
          %broadcast_in_dim3A_401 = vector.broadcast %broadcast_in_dim3A_400 : i32 to vector<16xi32>
          %select_n3A_402 = arith.select %eq3A_399, %iota3A, %broadcast_in_dim3A_401 : vector<16xi1>, vector<16xi32>
          %iota3A_403 = tpu.iota {dimensions = array<i32: 0>} : vector<16xi32>
          %xor3A_404 = arith.constant 1 : i32
          %xor3A_405 = vector.broadcast %xor3A_404 : i32 to vector<16xi32>
          %xor3A_406 = arith.xori %iota3A_403, %xor3A_405 : vector<16xi32>
          %broadcast_in_dim3A_407 = vector.shape_cast %xor3A_406 : vector<16xi32> to vector<16x1xi32>
          %gather3A_408 = vector.shape_cast %broadcast_in_dim3A_407 : vector<16x1xi32> to vector<16xi32>
          %gather3A_409 = tpu.dynamic_gather %select_n3A_402[%gather3A_408] in [0] : vector<16xi32>, vector<16xi32> -> vector<16xi32>
          %min3A = arith.minsi %select_n3A_402, %gather3A_409 : vector<16xi32>
          %xor3A_410 = arith.constant 2 : i32
          %xor3A_411 = vector.broadcast %xor3A_410 : i32 to vector<16xi32>
          %xor3A_412 = arith.xori %iota3A_403, %xor3A_411 : vector<16xi32>
          %broadcast_in_dim3A_413 = vector.shape_cast %xor3A_412 : vector<16xi32> to vector<16x1xi32>
          %gather3A_414 = vector.shape_cast %broadcast_in_dim3A_413 : vector<16x1xi32> to vector<16xi32>
          %gather3A_415 = tpu.dynamic_gather %min3A[%gather3A_414] in [0] : vector<16xi32>, vector<16xi32> -> vector<16xi32>
          %min3A_416 = arith.minsi %min3A, %gather3A_415 : vector<16xi32>
          %xor3A_417 = arith.constant 4 : i32
          %xor3A_418 = vector.broadcast %xor3A_417 : i32 to vector<16xi32>
          %xor3A_419 = arith.xori %iota3A_403, %xor3A_418 : vector<16xi32>
          %broadcast_in_dim3A_420 = vector.shape_cast %xor3A_419 : vector<16xi32> to vector<16x1xi32>
          %gather3A_421 = vector.shape_cast %broadcast_in_dim3A_420 : vector<16x1xi32> to vector<16xi32>
          %gather3A_422 = tpu.dynamic_gather %min3A_416[%gather3A_421] in [0] : vector<16xi32>, vector<16xi32> -> vector<16xi32>
          %min3A_423 = arith.minsi %min3A_416, %gather3A_422 : vector<16xi32>
          %xor3A_424 = arith.constant 8 : i32
          %xor3A_425 = vector.broadcast %xor3A_424 : i32 to vector<16xi32>
          %xor3A_426 = arith.xori %iota3A_403, %xor3A_425 : vector<16xi32>
          %broadcast_in_dim3A_427 = vector.shape_cast %xor3A_426 : vector<16xi32> to vector<16x1xi32>
          %gather3A_428 = vector.shape_cast %broadcast_in_dim3A_427 : vector<16x1xi32> to vector<16xi32>
          %gather3A_429 = tpu.dynamic_gather %min3A_423[%gather3A_428] in [0] : vector<16xi32>, vector<16xi32> -> vector<16xi32>
          %min3A_430 = arith.minsi %min3A_423, %gather3A_429 : vector<16xi32>
          %broadcast_in_dim3A_431 = vector.broadcast %mul3A_44 : i32 to vector<16xi32>
          %add3A_432 = arith.addi %broadcast_in_dim3A_431, %min3A_430 : vector<16xi32>
          %add3A_433 = arith.constant 0 : i32
          %add3A_434 = vector.broadcast %add3A_433 : i32 to vector<16xi32>
          %add3A_435 = arith.addi %iota3A, %add3A_434 : vector<16xi32>
          %mul3A_436 = arith.constant 16 : i32
          %mul3A_437 = vector.broadcast %mul3A_436 : i32 to vector<16xi32>
          %mul3A_438 = arith.muli %mul3A_437, %add3A_435 : vector<16xi32>
          %add3A_439 = arith.addi %add3A_432, %mul3A_438 : vector<16xi32>
          %gather3A_440 = tpu.vector_load_idx %arg4[%add3A_439] : memref<32768xf32, #tpu.memory_space<vmem>>[vector<16xi32>], vector<16xf32>,
          %lt3A = arith.cmpf olt, %gather3A_440, %max3A_398 : vector<16xf32>
          %select_n3A_441 = arith.select %lt3A, %gather3A_440, %broadcast_in_dim3A_3 : vector<16xi1>, vector<16xf32>
          %max3A_442 = arith.maximumf %broadcast_in_dim3A_3, %select_n3A_441 : vector<16xf32>
          %add3A_443 = arith.addi %broadcast_in_dim3A_431, %min3A_430 : vector<16xi32>
          %add3A_444 = arith.constant 16 : i32
          %add3A_445 = vector.broadcast %add3A_444 : i32 to vector<16xi32>
          %add3A_446 = arith.addi %iota3A, %add3A_445 : vector<16xi32>
          %mul3A_447 = arith.constant 16 : i32
          %mul3A_448 = vector.broadcast %mul3A_447 : i32 to vector<16xi32>
          %mul3A_449 = arith.muli %mul3A_448, %add3A_446 : vector<16xi32>
          %add3A_450 = arith.addi %add3A_443, %mul3A_449 : vector<16xi32>
          %gather3A_451 = tpu.vector_load_idx %arg4[%add3A_450] : memref<32768xf32, #tpu.memory_space<vmem>>[vector<16xi32>], vector<16xf32>,
          %lt3A_452 = arith.cmpf olt, %gather3A_451, %max3A_398 : vector<16xf32>
          %select_n3A_453 = arith.select %lt3A_452, %gather3A_451, %broadcast_in_dim3A_3 : vector<16xi1>, vector<16xf32>
          %max3A_454 = arith.maximumf %max3A_442, %select_n3A_453 : vector<16xf32>
          %add3A_455 = arith.addi %broadcast_in_dim3A_431, %min3A_430 : vector<16xi32>
          %add3A_456 = arith.constant 32 : i32
          %add3A_457 = vector.broadcast %add3A_456 : i32 to vector<16xi32>
          %add3A_458 = arith.addi %iota3A, %add3A_457 : vector<16xi32>
          %mul3A_459 = arith.constant 16 : i32
          %mul3A_460 = vector.broadcast %mul3A_459 : i32 to vector<16xi32>
          %mul3A_461 = arith.muli %mul3A_460, %add3A_458 : vector<16xi32>
          %add3A_462 = arith.addi %add3A_455, %mul3A_461 : vector<16xi32>
          %gather3A_463 = tpu.vector_load_idx %arg4[%add3A_462] : memref<32768xf32, #tpu.memory_space<vmem>>[vector<16xi32>], vector<16xf32>,
          %lt3A_464 = arith.cmpf olt, %gather3A_463, %max3A_398 : vector<16xf32>
          %select_n3A_465 = arith.select %lt3A_464, %gather3A_463, %broadcast_in_dim3A_3 : vector<16xi1>, vector<16xf32>
          %max3A_466 = arith.maximumf %max3A_454, %select_n3A_465 : vector<16xf32>
          %add3A_467 = arith.addi %broadcast_in_dim3A_431, %min3A_430 : vector<16xi32>
          %add3A_468 = arith.constant 48 : i32
          %add3A_469 = vector.broadcast %add3A_468 : i32 to vector<16xi32>
          %add3A_470 = arith.addi %iota3A, %add3A_469 : vector<16xi32>
          %mul3A_471 = arith.constant 16 : i32
          %mul3A_472 = vector.broadcast %mul3A_471 : i32 to vector<16xi32>
          %mul3A_473 = arith.muli %mul3A_472, %add3A_470 : vector<16xi32>
          %add3A_474 = arith.addi %add3A_467, %mul3A_473 : vector<16xi32>
          %gather3A_475 = tpu.vector_load_idx %arg4[%add3A_474] : memref<32768xf32, #tpu.memory_space<vmem>>[vector<16xi32>], vector<16xf32>,
          %lt3A_476 = arith.cmpf olt, %gather3A_475, %max3A_398 : vector<16xf32>
          %select_n3A_477 = arith.select %lt3A_476, %gather3A_475, %broadcast_in_dim3A_3 : vector<16xi1>, vector<16xf32>
          %max3A_478 = arith.maximumf %max3A_466, %select_n3A_477 : vector<16xf32>
          %iota3A_479 = tpu.iota {dimensions = array<i32: 0>} : vector<16xi32>
          %xor3A_480 = arith.constant 1 : i32
          %xor3A_481 = vector.broadcast %xor3A_480 : i32 to vector<16xi32>
          %xor3A_482 = arith.xori %iota3A_479, %xor3A_481 : vector<16xi32>
          %broadcast_in_dim3A_483 = vector.shape_cast %xor3A_482 : vector<16xi32> to vector<16x1xi32>
          %gather3A_484 = vector.shape_cast %broadcast_in_dim3A_483 : vector<16x1xi32> to vector<16xi32>
          %gather3A_485 = tpu.dynamic_gather %max3A_478[%gather3A_484] in [0] : vector<16xf32>, vector<16xi32> -> vector<16xf32>
          %max3A_486 = arith.maximumf %max3A_478, %gather3A_485 : vector<16xf32>
          %xor3A_487 = arith.constant 2 : i32
          %xor3A_488 = vector.broadcast %xor3A_487 : i32 to vector<16xi32>
          %xor3A_489 = arith.xori %iota3A_479, %xor3A_488 : vector<16xi32>
          %broadcast_in_dim3A_490 = vector.shape_cast %xor3A_489 : vector<16xi32> to vector<16x1xi32>
          %gather3A_491 = vector.shape_cast %broadcast_in_dim3A_490 : vector<16x1xi32> to vector<16xi32>
          %gather3A_492 = tpu.dynamic_gather %max3A_486[%gather3A_491] in [0] : vector<16xf32>, vector<16xi32> -> vector<16xf32>
          %max3A_493 = arith.maximumf %max3A_486, %gather3A_492 : vector<16xf32>
          %xor3A_494 = arith.constant 4 : i32
          %xor3A_495 = vector.broadcast %xor3A_494 : i32 to vector<16xi32>
          %xor3A_496 = arith.xori %iota3A_479, %xor3A_495 : vector<16xi32>
          %broadcast_in_dim3A_497 = vector.shape_cast %xor3A_496 : vector<16xi32> to vector<16x1xi32>
          %gather3A_498 = vector.shape_cast %broadcast_in_dim3A_497 : vector<16x1xi32> to vector<16xi32>
          %gather3A_499 = tpu.dynamic_gather %max3A_493[%gather3A_498] in [0] : vector<16xf32>, vector<16xi32> -> vector<16xf32>
          %max3A_500 = arith.maximumf %max3A_493, %gather3A_499 : vector<16xf32>
          %xor3A_501 = arith.constant 8 : i32
          %xor3A_502 = vector.broadcast %xor3A_501 : i32 to vector<16xi32>
          %xor3A_503 = arith.xori %iota3A_479, %xor3A_502 : vector<16xi32>
          %broadcast_in_dim3A_504 = vector.shape_cast %xor3A_503 : vector<16xi32> to vector<16x1xi32>
          %gather3A_505 = vector.shape_cast %broadcast_in_dim3A_504 : vector<16x1xi32> to vector<16xi32>
          %gather3A_506 = tpu.dynamic_gather %max3A_500[%gather3A_505] in [0] : vector<16xf32>, vector<16xi32> -> vector<16xf32>
          %max3A_507 = arith.maximumf %max3A_500, %gather3A_506 : vector<16xf32>
          %select_n3A_508 = arith.select %eq3A_399, %max3A_507, %scan3A_370 : vector<16xi1>, vector<16xf32>
          scf.yield %select_n3A_508, %max3A_398 : vector<16xf32>, vector<16xf32>
        }
        %scan3A_367 = arith.constant 20 : i32
        %broadcast_in_dim3A_368 = vector.broadcast %scan3A_39 : i32 to vector<16xi32>
        %eq3A = arith.cmpi eq, %iota3A, %broadcast_in_dim3A_368 : vector<16xi32>
        %select_n3A = arith.select %eq3A, %scan3A_366#1, %scan3A_40 : vector<16xi1>, vector<16xf32>
        scf.yield %select_n3A : vector<16xf32>
      }
      %scan3A_26 = arith.constant 16 : i32
      %swap3A = arith.constant 0 : index
      %swap3A_27 = tpu.vector_load %arg5[%swap3A] {strides = array<i32>} : memref<32xf32, #tpu.memory_space<vmem>>, vector<16xf32>,
      tpu.vector_store %arg5[%swap3A], %scan3A_25 {strides = array<i32>} : memref<32xf32, #tpu.memory_space<vmem>>, vector<16xf32>,
      %broadcast_in_dim3A_28 = arith.constant 0.000000e+00 : f32
      %broadcast_in_dim3A_29 = vector.broadcast %broadcast_in_dim3A_28 : f32 to vector<16xf32>
      %scan3A_30 = arith.constant 0 : i32
      %scan3A_31 = arith.constant 16 : i32
      %scan3A_32 = arith.addi %scan3A_30, %scan3A_31 : i32
      %scan3A_33 = arith.constant 1 : i32
      %scan3A_34 = scf.for %scan3A_39 = %scan3A_30 to %scan3A_32 step %scan3A_33 iter_args(%scan3A_40 = %broadcast_in_dim3A_29) -> (vector<16xf32>)  : i32 {
        %add3A_41 = arith.constant 16 : i32
        %add3A_42 = arith.addi %add3A_41, %scan3A_39 : i32
        %mul3A_43 = arith.constant 1024 : i32
        %mul3A_44 = arith.muli %add3A_42, %mul3A_43 : i32
        %get3A = arith.index_cast %mul3A_44 : i32 to index
        %get3A_45 = tpu.vector_load %arg4[%get3A] {strides = array<i32>} : memref<32768xf32, #tpu.memory_space<vmem>>, vector<16xf32>,
        %add3A_46 = arith.constant 16 : i32
        %add3A_47 = arith.addi %mul3A_44, %add3A_46 : i32
        %get3A_48 = arith.index_cast %add3A_47 : i32 to index
        %get3A_49 = tpu.vector_load %arg4[%get3A_48] {strides = array<i32>} : memref<32768xf32, #tpu.memory_space<vmem>>, vector<16xf32>,
        %max3A = arith.maximumf %get3A_45, %get3A_49 : vector<16xf32>
        %add3A_50 = arith.constant 32 : i32
        %add3A_51 = arith.addi %mul3A_44, %add3A_50 : i32
        %get3A_52 = arith.index_cast %add3A_51 : i32 to index
        %get3A_53 = tpu.vector_load %arg4[%get3A_52] {strides = array<i32>} : memref<32768xf32, #tpu.memory_space<vmem>>, vector<16xf32>,
        %max3A_54 = arith.maximumf %max3A, %get3A_53 : vector<16xf32>
        %add3A_55 = arith.constant 48 : i32
        %add3A_56 = arith.addi %mul3A_44, %add3A_55 : i32
        %get3A_57 = arith.index_cast %add3A_56 : i32 to index
        %get3A_58 = tpu.vector_load %arg4[%get3A_57] {strides = array<i32>} : memref<32768xf32, #tpu.memory_space<vmem>>, vector<16xf32>,
        %max3A_59 = arith.maximumf %max3A_54, %get3A_58 : vector<16xf32>
        %add3A_60 = arith.constant 64 : i32
        %add3A_61 = arith.addi %mul3A_44, %add3A_60 : i32
        %get3A_62 = arith.index_cast %add3A_61 : i32 to index
        %get3A_63 = tpu.vector_load %arg4[%get3A_62] {strides = array<i32>} : memref<32768xf32, #tpu.memory_space<vmem>>, vector<16xf32>,
        %max3A_64 = arith.maximumf %max3A_59, %get3A_63 : vector<16xf32>
        %add3A_65 = arith.constant 80 : i32
        %add3A_66 = arith.addi %mul3A_44, %add3A_65 : i32
        %get3A_67 = arith.index_cast %add3A_66 : i32 to index
        %get3A_68 = tpu.vector_load %arg4[%get3A_67] {strides = array<i32>} : memref<32768xf32, #tpu.memory_space<vmem>>, vector<16xf32>,
        %max3A_69 = arith.maximumf %max3A_64, %get3A_68 : vector<16xf32>
        %add3A_70 = arith.constant 96 : i32
        %add3A_71 = arith.addi %mul3A_44, %add3A_70 : i32
        %get3A_72 = arith.index_cast %add3A_71 : i32 to index
        %get3A_73 = tpu.vector_load %arg4[%get3A_72] {strides = array<i32>} : memref<32768xf32, #tpu.memory_space<vmem>>, vector<16xf32>,
        %max3A_74 = arith.maximumf %max3A_69, %get3A_73 : vector<16xf32>
        %add3A_75 = arith.constant 112 : i32
        %add3A_76 = arith.addi %mul3A_44, %add3A_75 : i32
        %get3A_77 = arith.index_cast %add3A_76 : i32 to index
        %get3A_78 = tpu.vector_load %arg4[%get3A_77] {strides = array<i32>} : memref<32768xf32, #tpu.memory_space<vmem>>, vector<16xf32>,
        %max3A_79 = arith.maximumf %max3A_74, %get3A_78 : vector<16xf32>
        %add3A_80 = arith.constant 128 : i32
        %add3A_81 = arith.addi %mul3A_44, %add3A_80 : i32
        %get3A_82 = arith.index_cast %add3A_81 : i32 to index
        %get3A_83 = tpu.vector_load %arg4[%get3A_82] {strides = array<i32>} : memref<32768xf32, #tpu.memory_space<vmem>>, vector<16xf32>,
        %max3A_84 = arith.maximumf %max3A_79, %get3A_83 : vector<16xf32>
        %add3A_85 = arith.constant 144 : i32
        %add3A_86 = arith.addi %mul3A_44, %add3A_85 : i32
        %get3A_87 = arith.index_cast %add3A_86 : i32 to index
        %get3A_88 = tpu.vector_load %arg4[%get3A_87] {strides = array<i32>} : memref<32768xf32, #tpu.memory_space<vmem>>, vector<16xf32>,
        %max3A_89 = arith.maximumf %max3A_84, %get3A_88 : vector<16xf32>
        %add3A_90 = arith.constant 160 : i32
        %add3A_91 = arith.addi %mul3A_44, %add3A_90 : i32
        %get3A_92 = arith.index_cast %add3A_91 : i32 to index
        %get3A_93 = tpu.vector_load %arg4[%get3A_92] {strides = array<i32>} : memref<32768xf32, #tpu.memory_space<vmem>>, vector<16xf32>,
        %max3A_94 = arith.maximumf %max3A_89, %get3A_93 : vector<16xf32>
        %add3A_95 = arith.constant 176 : i32
        %add3A_96 = arith.addi %mul3A_44, %add3A_95 : i32
        %get3A_97 = arith.index_cast %add3A_96 : i32 to index
        %get3A_98 = tpu.vector_load %arg4[%get3A_97] {strides = array<i32>} : memref<32768xf32, #tpu.memory_space<vmem>>, vector<16xf32>,
        %max3A_99 = arith.maximumf %max3A_94, %get3A_98 : vector<16xf32>
        %add3A_100 = arith.constant 192 : i32
        %add3A_101 = arith.addi %mul3A_44, %add3A_100 : i32
        %get3A_102 = arith.index_cast %add3A_101 : i32 to index
        %get3A_103 = tpu.vector_load %arg4[%get3A_102] {strides = array<i32>} : memref<32768xf32, #tpu.memory_space<vmem>>, vector<16xf32>,
        %max3A_104 = arith.maximumf %max3A_99, %get3A_103 : vector<16xf32>
        %add3A_105 = arith.constant 208 : i32
        %add3A_106 = arith.addi %mul3A_44, %add3A_105 : i32
        %get3A_107 = arith.index_cast %add3A_106 : i32 to index
        %get3A_108 = tpu.vector_load %arg4[%get3A_107] {strides = array<i32>} : memref<32768xf32, #tpu.memory_space<vmem>>, vector<16xf32>,
        %max3A_109 = arith.maximumf %max3A_104, %get3A_108 : vector<16xf32>
        %add3A_110 = arith.constant 224 : i32
        %add3A_111 = arith.addi %mul3A_44, %add3A_110 : i32
        %get3A_112 = arith.index_cast %add3A_111 : i32 to index
        %get3A_113 = tpu.vector_load %arg4[%get3A_112] {strides = array<i32>} : memref<32768xf32, #tpu.memory_space<vmem>>, vector<16xf32>,
        %max3A_114 = arith.maximumf %max3A_109, %get3A_113 : vector<16xf32>
        %add3A_115 = arith.constant 240 : i32
        %add3A_116 = arith.addi %mul3A_44, %add3A_115 : i32
        %get3A_117 = arith.index_cast %add3A_116 : i32 to index
        %get3A_118 = tpu.vector_load %arg4[%get3A_117] {strides = array<i32>} : memref<32768xf32, #tpu.memory_space<vmem>>, vector<16xf32>,
        %max3A_119 = arith.maximumf %max3A_114, %get3A_118 : vector<16xf32>
        %add3A_120 = arith.constant 256 : i32
        %add3A_121 = arith.addi %mul3A_44, %add3A_120 : i32
        %get3A_122 = arith.index_cast %add3A_121 : i32 to index
        %get3A_123 = tpu.vector_load %arg4[%get3A_122] {strides = array<i32>} : memref<32768xf32, #tpu.memory_space<vmem>>, vector<16xf32>,
        %max3A_124 = arith.maximumf %max3A_119, %get3A_123 : vector<16xf32>
        %add3A_125 = arith.constant 272 : i32
        %add3A_126 = arith.addi %mul3A_44, %add3A_125 : i32
        %get3A_127 = arith.index_cast %add3A_126 : i32 to index
        %get3A_128 = tpu.vector_load %arg4[%get3A_127] {strides = array<i32>} : memref<32768xf32, #tpu.memory_space<vmem>>, vector<16xf32>,
        %max3A_129 = arith.maximumf %max3A_124, %get3A_128 : vector<16xf32>
        %add3A_130 = arith.constant 288 : i32
        %add3A_131 = arith.addi %mul3A_44, %add3A_130 : i32
        %get3A_132 = arith.index_cast %add3A_131 : i32 to index
        %get3A_133 = tpu.vector_load %arg4[%get3A_132] {strides = array<i32>} : memref<32768xf32, #tpu.memory_space<vmem>>, vector<16xf32>,
        %max3A_134 = arith.maximumf %max3A_129, %get3A_133 : vector<16xf32>
        %add3A_135 = arith.constant 304 : i32
        %add3A_136 = arith.addi %mul3A_44, %add3A_135 : i32
        %get3A_137 = arith.index_cast %add3A_136 : i32 to index
        %get3A_138 = tpu.vector_load %arg4[%get3A_137] {strides = array<i32>} : memref<32768xf32, #tpu.memory_space<vmem>>, vector<16xf32>,
        %max3A_139 = arith.maximumf %max3A_134, %get3A_138 : vector<16xf32>
        %add3A_140 = arith.constant 320 : i32
        %add3A_141 = arith.addi %mul3A_44, %add3A_140 : i32
        %get3A_142 = arith.index_cast %add3A_141 : i32 to index
        %get3A_143 = tpu.vector_load %arg4[%get3A_142] {strides = array<i32>} : memref<32768xf32, #tpu.memory_space<vmem>>, vector<16xf32>,
        %max3A_144 = arith.maximumf %max3A_139, %get3A_143 : vector<16xf32>
        %add3A_145 = arith.constant 336 : i32
        %add3A_146 = arith.addi %mul3A_44, %add3A_145 : i32
        %get3A_147 = arith.index_cast %add3A_146 : i32 to index
        %get3A_148 = tpu.vector_load %arg4[%get3A_147] {strides = array<i32>} : memref<32768xf32, #tpu.memory_space<vmem>>, vector<16xf32>,
        %max3A_149 = arith.maximumf %max3A_144, %get3A_148 : vector<16xf32>
        %add3A_150 = arith.constant 352 : i32
        %add3A_151 = arith.addi %mul3A_44, %add3A_150 : i32
        %get3A_152 = arith.index_cast %add3A_151 : i32 to index
        %get3A_153 = tpu.vector_load %arg4[%get3A_152] {strides = array<i32>} : memref<32768xf32, #tpu.memory_space<vmem>>, vector<16xf32>,
        %max3A_154 = arith.maximumf %max3A_149, %get3A_153 : vector<16xf32>
        %add3A_155 = arith.constant 368 : i32
        %add3A_156 = arith.addi %mul3A_44, %add3A_155 : i32
        %get3A_157 = arith.index_cast %add3A_156 : i32 to index
        %get3A_158 = tpu.vector_load %arg4[%get3A_157] {strides = array<i32>} : memref<32768xf32, #tpu.memory_space<vmem>>, vector<16xf32>,
        %max3A_159 = arith.maximumf %max3A_154, %get3A_158 : vector<16xf32>
        %add3A_160 = arith.constant 384 : i32
        %add3A_161 = arith.addi %mul3A_44, %add3A_160 : i32
        %get3A_162 = arith.index_cast %add3A_161 : i32 to index
        %get3A_163 = tpu.vector_load %arg4[%get3A_162] {strides = array<i32>} : memref<32768xf32, #tpu.memory_space<vmem>>, vector<16xf32>,
        %max3A_164 = arith.maximumf %max3A_159, %get3A_163 : vector<16xf32>
        %add3A_165 = arith.constant 400 : i32
        %add3A_166 = arith.addi %mul3A_44, %add3A_165 : i32
        %get3A_167 = arith.index_cast %add3A_166 : i32 to index
        %get3A_168 = tpu.vector_load %arg4[%get3A_167] {strides = array<i32>} : memref<32768xf32, #tpu.memory_space<vmem>>, vector<16xf32>,
        %max3A_169 = arith.maximumf %max3A_164, %get3A_168 : vector<16xf32>
        %add3A_170 = arith.constant 416 : i32
        %add3A_171 = arith.addi %mul3A_44, %add3A_170 : i32
        %get3A_172 = arith.index_cast %add3A_171 : i32 to index
        %get3A_173 = tpu.vector_load %arg4[%get3A_172] {strides = array<i32>} : memref<32768xf32, #tpu.memory_space<vmem>>, vector<16xf32>,
        %max3A_174 = arith.maximumf %max3A_169, %get3A_173 : vector<16xf32>
        %add3A_175 = arith.constant 432 : i32
        %add3A_176 = arith.addi %mul3A_44, %add3A_175 : i32
        %get3A_177 = arith.index_cast %add3A_176 : i32 to index
        %get3A_178 = tpu.vector_load %arg4[%get3A_177] {strides = array<i32>} : memref<32768xf32, #tpu.memory_space<vmem>>, vector<16xf32>,
        %max3A_179 = arith.maximumf %max3A_174, %get3A_178 : vector<16xf32>
        %add3A_180 = arith.constant 448 : i32
        %add3A_181 = arith.addi %mul3A_44, %add3A_180 : i32
        %get3A_182 = arith.index_cast %add3A_181 : i32 to index
        %get3A_183 = tpu.vector_load %arg4[%get3A_182] {strides = array<i32>} : memref<32768xf32, #tpu.memory_space<vmem>>, vector<16xf32>,
        %max3A_184 = arith.maximumf %max3A_179, %get3A_183 : vector<16xf32>
        %add3A_185 = arith.constant 464 : i32
        %add3A_186 = arith.addi %mul3A_44, %add3A_185 : i32
        %get3A_187 = arith.index_cast %add3A_186 : i32 to index
        %get3A_188 = tpu.vector_load %arg4[%get3A_187] {strides = array<i32>} : memref<32768xf32, #tpu.memory_space<vmem>>, vector<16xf32>,
        %max3A_189 = arith.maximumf %max3A_184, %get3A_188 : vector<16xf32>
        %add3A_190 = arith.constant 480 : i32
        %add3A_191 = arith.addi %mul3A_44, %add3A_190 : i32
        %get3A_192 = arith.index_cast %add3A_191 : i32 to index
        %get3A_193 = tpu.vector_load %arg4[%get3A_192] {strides = array<i32>} : memref<32768xf32, #tpu.memory_space<vmem>>, vector<16xf32>,
        %max3A_194 = arith.maximumf %max3A_189, %get3A_193 : vector<16xf32>
        %add3A_195 = arith.constant 496 : i32
        %add3A_196 = arith.addi %mul3A_44, %add3A_195 : i32
        %get3A_197 = arith.index_cast %add3A_196 : i32 to index
        %get3A_198 = tpu.vector_load %arg4[%get3A_197] {strides = array<i32>} : memref<32768xf32, #tpu.memory_space<vmem>>, vector<16xf32>,
        %max3A_199 = arith.maximumf %max3A_194, %get3A_198 : vector<16xf32>
        %add3A_200 = arith.constant 512 : i32
        %add3A_201 = arith.addi %mul3A_44, %add3A_200 : i32
        %get3A_202 = arith.index_cast %add3A_201 : i32 to index
        %get3A_203 = tpu.vector_load %arg4[%get3A_202] {strides = array<i32>} : memref<32768xf32, #tpu.memory_space<vmem>>, vector<16xf32>,
        %max3A_204 = arith.maximumf %max3A_199, %get3A_203 : vector<16xf32>
        %add3A_205 = arith.constant 528 : i32
        %add3A_206 = arith.addi %mul3A_44, %add3A_205 : i32
        %get3A_207 = arith.index_cast %add3A_206 : i32 to index
        %get3A_208 = tpu.vector_load %arg4[%get3A_207] {strides = array<i32>} : memref<32768xf32, #tpu.memory_space<vmem>>, vector<16xf32>,
        %max3A_209 = arith.maximumf %max3A_204, %get3A_208 : vector<16xf32>
        %add3A_210 = arith.constant 544 : i32
        %add3A_211 = arith.addi %mul3A_44, %add3A_210 : i32
        %get3A_212 = arith.index_cast %add3A_211 : i32 to index
        %get3A_213 = tpu.vector_load %arg4[%get3A_212] {strides = array<i32>} : memref<32768xf32, #tpu.memory_space<vmem>>, vector<16xf32>,
        %max3A_214 = arith.maximumf %max3A_209, %get3A_213 : vector<16xf32>
        %add3A_215 = arith.constant 560 : i32
        %add3A_216 = arith.addi %mul3A_44, %add3A_215 : i32
        %get3A_217 = arith.index_cast %add3A_216 : i32 to index
        %get3A_218 = tpu.vector_load %arg4[%get3A_217] {strides = array<i32>} : memref<32768xf32, #tpu.memory_space<vmem>>, vector<16xf32>,
        %max3A_219 = arith.maximumf %max3A_214, %get3A_218 : vector<16xf32>
        %add3A_220 = arith.constant 576 : i32
        %add3A_221 = arith.addi %mul3A_44, %add3A_220 : i32
        %get3A_222 = arith.index_cast %add3A_221 : i32 to index
        %get3A_223 = tpu.vector_load %arg4[%get3A_222] {strides = array<i32>} : memref<32768xf32, #tpu.memory_space<vmem>>, vector<16xf32>,
        %max3A_224 = arith.maximumf %max3A_219, %get3A_223 : vector<16xf32>
        %add3A_225 = arith.constant 592 : i32
        %add3A_226 = arith.addi %mul3A_44, %add3A_225 : i32
        %get3A_227 = arith.index_cast %add3A_226 : i32 to index
        %get3A_228 = tpu.vector_load %arg4[%get3A_227] {strides = array<i32>} : memref<32768xf32, #tpu.memory_space<vmem>>, vector<16xf32>,
        %max3A_229 = arith.maximumf %max3A_224, %get3A_228 : vector<16xf32>
        %add3A_230 = arith.constant 608 : i32
        %add3A_231 = arith.addi %mul3A_44, %add3A_230 : i32
        %get3A_232 = arith.index_cast %add3A_231 : i32 to index
        %get3A_233 = tpu.vector_load %arg4[%get3A_232] {strides = array<i32>} : memref<32768xf32, #tpu.memory_space<vmem>>, vector<16xf32>,
        %max3A_234 = arith.maximumf %max3A_229, %get3A_233 : vector<16xf32>
        %add3A_235 = arith.constant 624 : i32
        %add3A_236 = arith.addi %mul3A_44, %add3A_235 : i32
        %get3A_237 = arith.index_cast %add3A_236 : i32 to index
        %get3A_238 = tpu.vector_load %arg4[%get3A_237] {strides = array<i32>} : memref<32768xf32, #tpu.memory_space<vmem>>, vector<16xf32>,
        %max3A_239 = arith.maximumf %max3A_234, %get3A_238 : vector<16xf32>
        %add3A_240 = arith.constant 640 : i32
        %add3A_241 = arith.addi %mul3A_44, %add3A_240 : i32
        %get3A_242 = arith.index_cast %add3A_241 : i32 to index
        %get3A_243 = tpu.vector_load %arg4[%get3A_242] {strides = array<i32>} : memref<32768xf32, #tpu.memory_space<vmem>>, vector<16xf32>,
        %max3A_244 = arith.maximumf %max3A_239, %get3A_243 : vector<16xf32>
        %add3A_245 = arith.constant 656 : i32
        %add3A_246 = arith.addi %mul3A_44, %add3A_245 : i32
        %get3A_247 = arith.index_cast %add3A_246 : i32 to index
        %get3A_248 = tpu.vector_load %arg4[%get3A_247] {strides = array<i32>} : memref<32768xf32, #tpu.memory_space<vmem>>, vector<16xf32>,
        %max3A_249 = arith.maximumf %max3A_244, %get3A_248 : vector<16xf32>
        %add3A_250 = arith.constant 672 : i32
        %add3A_251 = arith.addi %mul3A_44, %add3A_250 : i32
        %get3A_252 = arith.index_cast %add3A_251 : i32 to index
        %get3A_253 = tpu.vector_load %arg4[%get3A_252] {strides = array<i32>} : memref<32768xf32, #tpu.memory_space<vmem>>, vector<16xf32>,
        %max3A_254 = arith.maximumf %max3A_249, %get3A_253 : vector<16xf32>
        %add3A_255 = arith.constant 688 : i32
        %add3A_256 = arith.addi %mul3A_44, %add3A_255 : i32
        %get3A_257 = arith.index_cast %add3A_256 : i32 to index
        %get3A_258 = tpu.vector_load %arg4[%get3A_257] {strides = array<i32>} : memref<32768xf32, #tpu.memory_space<vmem>>, vector<16xf32>,
        %max3A_259 = arith.maximumf %max3A_254, %get3A_258 : vector<16xf32>
        %add3A_260 = arith.constant 704 : i32
        %add3A_261 = arith.addi %mul3A_44, %add3A_260 : i32
        %get3A_262 = arith.index_cast %add3A_261 : i32 to index
        %get3A_263 = tpu.vector_load %arg4[%get3A_262] {strides = array<i32>} : memref<32768xf32, #tpu.memory_space<vmem>>, vector<16xf32>,
        %max3A_264 = arith.maximumf %max3A_259, %get3A_263 : vector<16xf32>
        %add3A_265 = arith.constant 720 : i32
        %add3A_266 = arith.addi %mul3A_44, %add3A_265 : i32
        %get3A_267 = arith.index_cast %add3A_266 : i32 to index
        %get3A_268 = tpu.vector_load %arg4[%get3A_267] {strides = array<i32>} : memref<32768xf32, #tpu.memory_space<vmem>>, vector<16xf32>,
        %max3A_269 = arith.maximumf %max3A_264, %get3A_268 : vector<16xf32>
        %add3A_270 = arith.constant 736 : i32
        %add3A_271 = arith.addi %mul3A_44, %add3A_270 : i32
        %get3A_272 = arith.index_cast %add3A_271 : i32 to index
        %get3A_273 = tpu.vector_load %arg4[%get3A_272] {strides = array<i32>} : memref<32768xf32, #tpu.memory_space<vmem>>, vector<16xf32>,
        %max3A_274 = arith.maximumf %max3A_269, %get3A_273 : vector<16xf32>
        %add3A_275 = arith.constant 752 : i32
        %add3A_276 = arith.addi %mul3A_44, %add3A_275 : i32
        %get3A_277 = arith.index_cast %add3A_276 : i32 to index
        %get3A_278 = tpu.vector_load %arg4[%get3A_277] {strides = array<i32>} : memref<32768xf32, #tpu.memory_space<vmem>>, vector<16xf32>,
        %max3A_279 = arith.maximumf %max3A_274, %get3A_278 : vector<16xf32>
        %add3A_280 = arith.constant 768 : i32
        %add3A_281 = arith.addi %mul3A_44, %add3A_280 : i32
        %get3A_282 = arith.index_cast %add3A_281 : i32 to index
        %get3A_283 = tpu.vector_load %arg4[%get3A_282] {strides = array<i32>} : memref<32768xf32, #tpu.memory_space<vmem>>, vector<16xf32>,
        %max3A_284 = arith.maximumf %max3A_279, %get3A_283 : vector<16xf32>
        %add3A_285 = arith.constant 784 : i32
        %add3A_286 = arith.addi %mul3A_44, %add3A_285 : i32
        %get3A_287 = arith.index_cast %add3A_286 : i32 to index
        %get3A_288 = tpu.vector_load %arg4[%get3A_287] {strides = array<i32>} : memref<32768xf32, #tpu.memory_space<vmem>>, vector<16xf32>,
        %max3A_289 = arith.maximumf %max3A_284, %get3A_288 : vector<16xf32>
        %add3A_290 = arith.constant 800 : i32
        %add3A_291 = arith.addi %mul3A_44, %add3A_290 : i32
        %get3A_292 = arith.index_cast %add3A_291 : i32 to index
        %get3A_293 = tpu.vector_load %arg4[%get3A_292] {strides = array<i32>} : memref<32768xf32, #tpu.memory_space<vmem>>, vector<16xf32>,
        %max3A_294 = arith.maximumf %max3A_289, %get3A_293 : vector<16xf32>
        %add3A_295 = arith.constant 816 : i32
        %add3A_296 = arith.addi %mul3A_44, %add3A_295 : i32
        %get3A_297 = arith.index_cast %add3A_296 : i32 to index
        %get3A_298 = tpu.vector_load %arg4[%get3A_297] {strides = array<i32>} : memref<32768xf32, #tpu.memory_space<vmem>>, vector<16xf32>,
        %max3A_299 = arith.maximumf %max3A_294, %get3A_298 : vector<16xf32>
        %add3A_300 = arith.constant 832 : i32
        %add3A_301 = arith.addi %mul3A_44, %add3A_300 : i32
        %get3A_302 = arith.index_cast %add3A_301 : i32 to index
        %get3A_303 = tpu.vector_load %arg4[%get3A_302] {strides = array<i32>} : memref<32768xf32, #tpu.memory_space<vmem>>, vector<16xf32>,
        %max3A_304 = arith.maximumf %max3A_299, %get3A_303 : vector<16xf32>
        %add3A_305 = arith.constant 848 : i32
        %add3A_306 = arith.addi %mul3A_44, %add3A_305 : i32
        %get3A_307 = arith.index_cast %add3A_306 : i32 to index
        %get3A_308 = tpu.vector_load %arg4[%get3A_307] {strides = array<i32>} : memref<32768xf32, #tpu.memory_space<vmem>>, vector<16xf32>,
        %max3A_309 = arith.maximumf %max3A_304, %get3A_308 : vector<16xf32>
        %add3A_310 = arith.constant 864 : i32
        %add3A_311 = arith.addi %mul3A_44, %add3A_310 : i32
        %get3A_312 = arith.index_cast %add3A_311 : i32 to index
        %get3A_313 = tpu.vector_load %arg4[%get3A_312] {strides = array<i32>} : memref<32768xf32, #tpu.memory_space<vmem>>, vector<16xf32>,
        %max3A_314 = arith.maximumf %max3A_309, %get3A_313 : vector<16xf32>
        %add3A_315 = arith.constant 880 : i32
        %add3A_316 = arith.addi %mul3A_44, %add3A_315 : i32
        %get3A_317 = arith.index_cast %add3A_316 : i32 to index
        %get3A_318 = tpu.vector_load %arg4[%get3A_317] {strides = array<i32>} : memref<32768xf32, #tpu.memory_space<vmem>>, vector<16xf32>,
        %max3A_319 = arith.maximumf %max3A_314, %get3A_318 : vector<16xf32>
        %add3A_320 = arith.constant 896 : i32
        %add3A_321 = arith.addi %mul3A_44, %add3A_320 : i32
        %get3A_322 = arith.index_cast %add3A_321 : i32 to index
        %get3A_323 = tpu.vector_load %arg4[%get3A_322] {strides = array<i32>} : memref<32768xf32, #tpu.memory_space<vmem>>, vector<16xf32>,
        %max3A_324 = arith.maximumf %max3A_319, %get3A_323 : vector<16xf32>
        %add3A_325 = arith.constant 912 : i32
        %add3A_326 = arith.addi %mul3A_44, %add3A_325 : i32
        %get3A_327 = arith.index_cast %add3A_326 : i32 to index
        %get3A_328 = tpu.vector_load %arg4[%get3A_327] {strides = array<i32>} : memref<32768xf32, #tpu.memory_space<vmem>>, vector<16xf32>,
        %max3A_329 = arith.maximumf %max3A_324, %get3A_328 : vector<16xf32>
        %add3A_330 = arith.constant 928 : i32
        %add3A_331 = arith.addi %mul3A_44, %add3A_330 : i32
        %get3A_332 = arith.index_cast %add3A_331 : i32 to index
        %get3A_333 = tpu.vector_load %arg4[%get3A_332] {strides = array<i32>} : memref<32768xf32, #tpu.memory_space<vmem>>, vector<16xf32>,
        %max3A_334 = arith.maximumf %max3A_329, %get3A_333 : vector<16xf32>
        %add3A_335 = arith.constant 944 : i32
        %add3A_336 = arith.addi %mul3A_44, %add3A_335 : i32
        %get3A_337 = arith.index_cast %add3A_336 : i32 to index
        %get3A_338 = tpu.vector_load %arg4[%get3A_337] {strides = array<i32>} : memref<32768xf32, #tpu.memory_space<vmem>>, vector<16xf32>,
        %max3A_339 = arith.maximumf %max3A_334, %get3A_338 : vector<16xf32>
        %add3A_340 = arith.constant 960 : i32
        %add3A_341 = arith.addi %mul3A_44, %add3A_340 : i32
        %get3A_342 = arith.index_cast %add3A_341 : i32 to index
        %get3A_343 = tpu.vector_load %arg4[%get3A_342] {strides = array<i32>} : memref<32768xf32, #tpu.memory_space<vmem>>, vector<16xf32>,
        %max3A_344 = arith.maximumf %max3A_339, %get3A_343 : vector<16xf32>
        %add3A_345 = arith.constant 976 : i32
        %add3A_346 = arith.addi %mul3A_44, %add3A_345 : i32
        %get3A_347 = arith.index_cast %add3A_346 : i32 to index
        %get3A_348 = tpu.vector_load %arg4[%get3A_347] {strides = array<i32>} : memref<32768xf32, #tpu.memory_space<vmem>>, vector<16xf32>,
        %max3A_349 = arith.maximumf %max3A_344, %get3A_348 : vector<16xf32>
        %add3A_350 = arith.constant 992 : i32
        %add3A_351 = arith.addi %mul3A_44, %add3A_350 : i32
        %get3A_352 = arith.index_cast %add3A_351 : i32 to index
        %get3A_353 = tpu.vector_load %arg4[%get3A_352] {strides = array<i32>} : memref<32768xf32, #tpu.memory_space<vmem>>, vector<16xf32>,
        %max3A_354 = arith.maximumf %max3A_349, %get3A_353 : vector<16xf32>
        %add3A_355 = arith.constant 1008 : i32
        %add3A_356 = arith.addi %mul3A_44, %add3A_355 : i32
        %get3A_357 = arith.index_cast %add3A_356 : i32 to index
        %get3A_358 = tpu.vector_load %arg4[%get3A_357] {strides = array<i32>} : memref<32768xf32, #tpu.memory_space<vmem>>, vector<16xf32>,
        %max3A_359 = arith.maximumf %max3A_354, %get3A_358 : vector<16xf32>
        %broadcast_in_dim3A_360 = arith.constant 0.000000e+00 : f32
        %broadcast_in_dim3A_361 = vector.broadcast %broadcast_in_dim3A_360 : f32 to vector<16xf32>
        %scan3A_362 = arith.constant 0 : i32
        %scan3A_363 = arith.constant 20 : i32
        %scan3A_364 = arith.addi %scan3A_362, %scan3A_363 : i32
        %scan3A_365 = arith.constant 1 : i32
        %scan3A_366:2 = scf.for %scan3A_369 = %scan3A_362 to %scan3A_364 step %scan3A_365 iter_args(%scan3A_370 = %max3A_359, %scan3A_371 = %broadcast_in_dim3A_361) -> (vector<16xf32>, vector<16xf32>)  : i32 {
          %iota3A_372 = tpu.iota {dimensions = array<i32: 0>} : vector<16xi32>
          %xor3A = arith.constant 1 : i32
          %xor3A_373 = vector.broadcast %xor3A : i32 to vector<16xi32>
          %xor3A_374 = arith.xori %iota3A_372, %xor3A_373 : vector<16xi32>
          %broadcast_in_dim3A_375 = vector.shape_cast %xor3A_374 : vector<16xi32> to vector<16x1xi32>
          %gather3A = vector.shape_cast %broadcast_in_dim3A_375 : vector<16x1xi32> to vector<16xi32>
          %gather3A_376 = tpu.dynamic_gather %scan3A_370[%gather3A] in [0] : vector<16xf32>, vector<16xi32> -> vector<16xf32>
          %max3A_377 = arith.maximumf %scan3A_370, %gather3A_376 : vector<16xf32>
          %xor3A_378 = arith.constant 2 : i32
          %xor3A_379 = vector.broadcast %xor3A_378 : i32 to vector<16xi32>
          %xor3A_380 = arith.xori %iota3A_372, %xor3A_379 : vector<16xi32>
          %broadcast_in_dim3A_381 = vector.shape_cast %xor3A_380 : vector<16xi32> to vector<16x1xi32>
          %gather3A_382 = vector.shape_cast %broadcast_in_dim3A_381 : vector<16x1xi32> to vector<16xi32>
          %gather3A_383 = tpu.dynamic_gather %max3A_377[%gather3A_382] in [0] : vector<16xf32>, vector<16xi32> -> vector<16xf32>
          %max3A_384 = arith.maximumf %max3A_377, %gather3A_383 : vector<16xf32>
          %xor3A_385 = arith.constant 4 : i32
          %xor3A_386 = vector.broadcast %xor3A_385 : i32 to vector<16xi32>
          %xor3A_387 = arith.xori %iota3A_372, %xor3A_386 : vector<16xi32>
          %broadcast_in_dim3A_388 = vector.shape_cast %xor3A_387 : vector<16xi32> to vector<16x1xi32>
          %gather3A_389 = vector.shape_cast %broadcast_in_dim3A_388 : vector<16x1xi32> to vector<16xi32>
          %gather3A_390 = tpu.dynamic_gather %max3A_384[%gather3A_389] in [0] : vector<16xf32>, vector<16xi32> -> vector<16xf32>
          %max3A_391 = arith.maximumf %max3A_384, %gather3A_390 : vector<16xf32>
          %xor3A_392 = arith.constant 8 : i32
          %xor3A_393 = vector.broadcast %xor3A_392 : i32 to vector<16xi32>
          %xor3A_394 = arith.xori %iota3A_372, %xor3A_393 : vector<16xi32>
          %broadcast_in_dim3A_395 = vector.shape_cast %xor3A_394 : vector<16xi32> to vector<16x1xi32>
          %gather3A_396 = vector.shape_cast %broadcast_in_dim3A_395 : vector<16x1xi32> to vector<16xi32>
          %gather3A_397 = tpu.dynamic_gather %max3A_391[%gather3A_396] in [0] : vector<16xf32>, vector<16xi32> -> vector<16xf32>
          %max3A_398 = arith.maximumf %max3A_391, %gather3A_397 : vector<16xf32>
          %eq3A_399 = arith.cmpf oeq, %scan3A_370, %max3A_398 : vector<16xf32>
          %broadcast_in_dim3A_400 = arith.constant 16 : i32
          %broadcast_in_dim3A_401 = vector.broadcast %broadcast_in_dim3A_400 : i32 to vector<16xi32>
          %select_n3A_402 = arith.select %eq3A_399, %iota3A, %broadcast_in_dim3A_401 : vector<16xi1>, vector<16xi32>
          %iota3A_403 = tpu.iota {dimensions = array<i32: 0>} : vector<16xi32>
          %xor3A_404 = arith.constant 1 : i32
          %xor3A_405 = vector.broadcast %xor3A_404 : i32 to vector<16xi32>
          %xor3A_406 = arith.xori %iota3A_403, %xor3A_405 : vector<16xi32>
          %broadcast_in_dim3A_407 = vector.shape_cast %xor3A_406 : vector<16xi32> to vector<16x1xi32>
          %gather3A_408 = vector.shape_cast %broadcast_in_dim3A_407 : vector<16x1xi32> to vector<16xi32>
          %gather3A_409 = tpu.dynamic_gather %select_n3A_402[%gather3A_408] in [0] : vector<16xi32>, vector<16xi32> -> vector<16xi32>
          %min3A = arith.minsi %select_n3A_402, %gather3A_409 : vector<16xi32>
          %xor3A_410 = arith.constant 2 : i32
          %xor3A_411 = vector.broadcast %xor3A_410 : i32 to vector<16xi32>
          %xor3A_412 = arith.xori %iota3A_403, %xor3A_411 : vector<16xi32>
          %broadcast_in_dim3A_413 = vector.shape_cast %xor3A_412 : vector<16xi32> to vector<16x1xi32>
          %gather3A_414 = vector.shape_cast %broadcast_in_dim3A_413 : vector<16x1xi32> to vector<16xi32>
          %gather3A_415 = tpu.dynamic_gather %min3A[%gather3A_414] in [0] : vector<16xi32>, vector<16xi32> -> vector<16xi32>
          %min3A_416 = arith.minsi %min3A, %gather3A_415 : vector<16xi32>
          %xor3A_417 = arith.constant 4 : i32
          %xor3A_418 = vector.broadcast %xor3A_417 : i32 to vector<16xi32>
          %xor3A_419 = arith.xori %iota3A_403, %xor3A_418 : vector<16xi32>
          %broadcast_in_dim3A_420 = vector.shape_cast %xor3A_419 : vector<16xi32> to vector<16x1xi32>
          %gather3A_421 = vector.shape_cast %broadcast_in_dim3A_420 : vector<16x1xi32> to vector<16xi32>
          %gather3A_422 = tpu.dynamic_gather %min3A_416[%gather3A_421] in [0] : vector<16xi32>, vector<16xi32> -> vector<16xi32>
          %min3A_423 = arith.minsi %min3A_416, %gather3A_422 : vector<16xi32>
          %xor3A_424 = arith.constant 8 : i32
          %xor3A_425 = vector.broadcast %xor3A_424 : i32 to vector<16xi32>
          %xor3A_426 = arith.xori %iota3A_403, %xor3A_425 : vector<16xi32>
          %broadcast_in_dim3A_427 = vector.shape_cast %xor3A_426 : vector<16xi32> to vector<16x1xi32>
          %gather3A_428 = vector.shape_cast %broadcast_in_dim3A_427 : vector<16x1xi32> to vector<16xi32>
          %gather3A_429 = tpu.dynamic_gather %min3A_423[%gather3A_428] in [0] : vector<16xi32>, vector<16xi32> -> vector<16xi32>
          %min3A_430 = arith.minsi %min3A_423, %gather3A_429 : vector<16xi32>
          %broadcast_in_dim3A_431 = vector.broadcast %mul3A_44 : i32 to vector<16xi32>
          %add3A_432 = arith.addi %broadcast_in_dim3A_431, %min3A_430 : vector<16xi32>
          %add3A_433 = arith.constant 0 : i32
          %add3A_434 = vector.broadcast %add3A_433 : i32 to vector<16xi32>
          %add3A_435 = arith.addi %iota3A, %add3A_434 : vector<16xi32>
          %mul3A_436 = arith.constant 16 : i32
          %mul3A_437 = vector.broadcast %mul3A_436 : i32 to vector<16xi32>
          %mul3A_438 = arith.muli %mul3A_437, %add3A_435 : vector<16xi32>
          %add3A_439 = arith.addi %add3A_432, %mul3A_438 : vector<16xi32>
          %gather3A_440 = tpu.vector_load_idx %arg4[%add3A_439] : memref<32768xf32, #tpu.memory_space<vmem>>[vector<16xi32>], vector<16xf32>,
          %lt3A = arith.cmpf olt, %gather3A_440, %max3A_398 : vector<16xf32>
          %select_n3A_441 = arith.select %lt3A, %gather3A_440, %broadcast_in_dim3A_3 : vector<16xi1>, vector<16xf32>
          %max3A_442 = arith.maximumf %broadcast_in_dim3A_3, %select_n3A_441 : vector<16xf32>
          %add3A_443 = arith.addi %broadcast_in_dim3A_431, %min3A_430 : vector<16xi32>
          %add3A_444 = arith.constant 16 : i32
          %add3A_445 = vector.broadcast %add3A_444 : i32 to vector<16xi32>
          %add3A_446 = arith.addi %iota3A, %add3A_445 : vector<16xi32>
          %mul3A_447 = arith.constant 16 : i32
          %mul3A_448 = vector.broadcast %mul3A_447 : i32 to vector<16xi32>
          %mul3A_449 = arith.muli %mul3A_448, %add3A_446 : vector<16xi32>
          %add3A_450 = arith.addi %add3A_443, %mul3A_449 : vector<16xi32>
          %gather3A_451 = tpu.vector_load_idx %arg4[%add3A_450] : memref<32768xf32, #tpu.memory_space<vmem>>[vector<16xi32>], vector<16xf32>,
          %lt3A_452 = arith.cmpf olt, %gather3A_451, %max3A_398 : vector<16xf32>
          %select_n3A_453 = arith.select %lt3A_452, %gather3A_451, %broadcast_in_dim3A_3 : vector<16xi1>, vector<16xf32>
          %max3A_454 = arith.maximumf %max3A_442, %select_n3A_453 : vector<16xf32>
          %add3A_455 = arith.addi %broadcast_in_dim3A_431, %min3A_430 : vector<16xi32>
          %add3A_456 = arith.constant 32 : i32
          %add3A_457 = vector.broadcast %add3A_456 : i32 to vector<16xi32>
          %add3A_458 = arith.addi %iota3A, %add3A_457 : vector<16xi32>
          %mul3A_459 = arith.constant 16 : i32
          %mul3A_460 = vector.broadcast %mul3A_459 : i32 to vector<16xi32>
          %mul3A_461 = arith.muli %mul3A_460, %add3A_458 : vector<16xi32>
          %add3A_462 = arith.addi %add3A_455, %mul3A_461 : vector<16xi32>
          %gather3A_463 = tpu.vector_load_idx %arg4[%add3A_462] : memref<32768xf32, #tpu.memory_space<vmem>>[vector<16xi32>], vector<16xf32>,
          %lt3A_464 = arith.cmpf olt, %gather3A_463, %max3A_398 : vector<16xf32>
          %select_n3A_465 = arith.select %lt3A_464, %gather3A_463, %broadcast_in_dim3A_3 : vector<16xi1>, vector<16xf32>
          %max3A_466 = arith.maximumf %max3A_454, %select_n3A_465 : vector<16xf32>
          %add3A_467 = arith.addi %broadcast_in_dim3A_431, %min3A_430 : vector<16xi32>
          %add3A_468 = arith.constant 48 : i32
          %add3A_469 = vector.broadcast %add3A_468 : i32 to vector<16xi32>
          %add3A_470 = arith.addi %iota3A, %add3A_469 : vector<16xi32>
          %mul3A_471 = arith.constant 16 : i32
          %mul3A_472 = vector.broadcast %mul3A_471 : i32 to vector<16xi32>
          %mul3A_473 = arith.muli %mul3A_472, %add3A_470 : vector<16xi32>
          %add3A_474 = arith.addi %add3A_467, %mul3A_473 : vector<16xi32>
          %gather3A_475 = tpu.vector_load_idx %arg4[%add3A_474] : memref<32768xf32, #tpu.memory_space<vmem>>[vector<16xi32>], vector<16xf32>,
          %lt3A_476 = arith.cmpf olt, %gather3A_475, %max3A_398 : vector<16xf32>
          %select_n3A_477 = arith.select %lt3A_476, %gather3A_475, %broadcast_in_dim3A_3 : vector<16xi1>, vector<16xf32>
          %max3A_478 = arith.maximumf %max3A_466, %select_n3A_477 : vector<16xf32>
          %iota3A_479 = tpu.iota {dimensions = array<i32: 0>} : vector<16xi32>
          %xor3A_480 = arith.constant 1 : i32
          %xor3A_481 = vector.broadcast %xor3A_480 : i32 to vector<16xi32>
          %xor3A_482 = arith.xori %iota3A_479, %xor3A_481 : vector<16xi32>
          %broadcast_in_dim3A_483 = vector.shape_cast %xor3A_482 : vector<16xi32> to vector<16x1xi32>
          %gather3A_484 = vector.shape_cast %broadcast_in_dim3A_483 : vector<16x1xi32> to vector<16xi32>
          %gather3A_485 = tpu.dynamic_gather %max3A_478[%gather3A_484] in [0] : vector<16xf32>, vector<16xi32> -> vector<16xf32>
          %max3A_486 = arith.maximumf %max3A_478, %gather3A_485 : vector<16xf32>
          %xor3A_487 = arith.constant 2 : i32
          %xor3A_488 = vector.broadcast %xor3A_487 : i32 to vector<16xi32>
          %xor3A_489 = arith.xori %iota3A_479, %xor3A_488 : vector<16xi32>
          %broadcast_in_dim3A_490 = vector.shape_cast %xor3A_489 : vector<16xi32> to vector<16x1xi32>
          %gather3A_491 = vector.shape_cast %broadcast_in_dim3A_490 : vector<16x1xi32> to vector<16xi32>
          %gather3A_492 = tpu.dynamic_gather %max3A_486[%gather3A_491] in [0] : vector<16xf32>, vector<16xi32> -> vector<16xf32>
          %max3A_493 = arith.maximumf %max3A_486, %gather3A_492 : vector<16xf32>
          %xor3A_494 = arith.constant 4 : i32
          %xor3A_495 = vector.broadcast %xor3A_494 : i32 to vector<16xi32>
          %xor3A_496 = arith.xori %iota3A_479, %xor3A_495 : vector<16xi32>
          %broadcast_in_dim3A_497 = vector.shape_cast %xor3A_496 : vector<16xi32> to vector<16x1xi32>
          %gather3A_498 = vector.shape_cast %broadcast_in_dim3A_497 : vector<16x1xi32> to vector<16xi32>
          %gather3A_499 = tpu.dynamic_gather %max3A_493[%gather3A_498] in [0] : vector<16xf32>, vector<16xi32> -> vector<16xf32>
          %max3A_500 = arith.maximumf %max3A_493, %gather3A_499 : vector<16xf32>
          %xor3A_501 = arith.constant 8 : i32
          %xor3A_502 = vector.broadcast %xor3A_501 : i32 to vector<16xi32>
          %xor3A_503 = arith.xori %iota3A_479, %xor3A_502 : vector<16xi32>
          %broadcast_in_dim3A_504 = vector.shape_cast %xor3A_503 : vector<16xi32> to vector<16x1xi32>
          %gather3A_505 = vector.shape_cast %broadcast_in_dim3A_504 : vector<16x1xi32> to vector<16xi32>
          %gather3A_506 = tpu.dynamic_gather %max3A_500[%gather3A_505] in [0] : vector<16xf32>, vector<16xi32> -> vector<16xf32>
          %max3A_507 = arith.maximumf %max3A_500, %gather3A_506 : vector<16xf32>
          %select_n3A_508 = arith.select %eq3A_399, %max3A_507, %scan3A_370 : vector<16xi1>, vector<16xf32>
          scf.yield %select_n3A_508, %max3A_398 : vector<16xf32>, vector<16xf32>
        }
        %scan3A_367 = arith.constant 20 : i32
        %broadcast_in_dim3A_368 = vector.broadcast %scan3A_39 : i32 to vector<16xi32>
        %eq3A = arith.cmpi eq, %iota3A, %broadcast_in_dim3A_368 : vector<16xi32>
        %select_n3A = arith.select %eq3A, %scan3A_366#1, %scan3A_40 : vector<16xi1>, vector<16xf32>
        scf.yield %select_n3A : vector<16xf32>
      }
      %scan3A_35 = arith.constant 16 : i32
      %swap3A_36 = arith.constant 16 : index
      %swap3A_37 = tpu.vector_load %arg5[%swap3A_36] {strides = array<i32>} : memref<32xf32, #tpu.memory_space<vmem>>, vector<16xf32>,
      tpu.vector_store %arg5[%swap3A_36], %scan3A_34 {strides = array<i32>} : memref<32xf32, #tpu.memory_space<vmem>>, vector<16xf32>,
      "tpu.region"() ({
        %run_scoped3A = tpu.sem_alloc : memref<!tpu.dma_semaphore, #tpu.memory_space<semaphore_mem>>
        %dma_start3A_39 = tpu.memref_slice %arg3[%add3A_14] : memref<51200xf32, #tpu.memory_space<hbm>> -> memref<32xf32, #tpu.memory_space<hbm>>
        %dma_start3A_40 = tpu.memref_slice %arg3[%add3A_14] : memref<51200xf32, #tpu.memory_space<hbm>> -> memref<32xf32, #tpu.memory_space<hbm>>
        tpu.enqueue_dma source(%arg5 : memref<32xf32, #tpu.memory_space<vmem>>) target(%dma_start3A_40 : memref<32xf32, #tpu.memory_space<hbm>>) target_semaphore(%run_scoped3A : memref<!tpu.dma_semaphore, #tpu.memory_space<semaphore_mem>>)
        %dma_wait3A_41 = tpu.memref_slice %arg3[%add3A_14] : memref<51200xf32, #tpu.memory_space<hbm>> -> memref<32xf32, #tpu.memory_space<hbm>>
        %dma_wait3A_42 = tpu.memref_slice %arg3[%add3A_14] : memref<51200xf32, #tpu.memory_space<hbm>> -> memref<32xf32, #tpu.memory_space<hbm>>
        tpu.wait_dma2 semaphore(%run_scoped3A : memref<!tpu.dma_semaphore, #tpu.memory_space<semaphore_mem>>) src(%arg5 : memref<32xf32, #tpu.memory_space<vmem>>) dst(%dma_wait3A_42 : memref<32xf32, #tpu.memory_space<hbm>>)
        tpu.yield
      }) : () -> ()
      %scan3A_38 = arith.constant 0 : i32
      scf.yield %scan3A_38 : i32
    }
    %scan3A_9 = arith.constant 50 : i32
    return
  }
}

module attributes {stable_mosaic.version = 14 : i64} {
  func.func @_matmul_kernel(%arg0: i32, %arg1: memref<16x50x128xf32, #tpu.memory_space<vmem>>, %arg2: memref<1024x128xf32, #tpu.memory_space<vmem>>, %arg3: memref<800x1024xf32, #tpu.memory_space<vmem>>) attributes {dimension_semantics = [#tpu.dimension_semantics<arbitrary>], iteration_bounds = array<i64: 64>, scalar_prefetch = 0 : i64, scratch_operands = 0 : i64, tpu.core_type = #tpu.core_type<tc>, window_params = [{transform_indices = @transform_0, window_bounds = array<i64: 16, 50, 128>}, {pipeline_mode = #tpu.pipeline_mode<synchronous>, transform_indices = @transform_1, window_bounds = array<i64: 1024, 128>}, {transform_indices = @transform_2, window_bounds = array<i64: 800, 1024>}]} {
    %get3A = arith.constant 0 : index
    %get3A_0 = arith.constant 0 : index
    %get3A_1 = arith.constant 0 : index
    %get3A_2 = vector.load %arg1[%get3A, %get3A_0, %get3A_1] : memref<16x50x128xf32, #tpu.memory_space<vmem>>, vector<16x50x128xf32>
    %reshape3A = vector.shape_cast %get3A_2 : vector<16x50x128xf32> to vector<800x128xf32>
    %get3A_3 = arith.constant 0 : index
    %get3A_4 = arith.constant 0 : index
    %get3A_5 = vector.load %arg2[%get3A_3, %get3A_4] : memref<1024x128xf32, #tpu.memory_space<vmem>>, vector<1024x128xf32>
    %dot_general3A = arith.constant dense<0.000000e+00> : vector<800x1024xf32>
    %dot_general3A_6 = tpu.matmul %reshape3A, %get3A_5, %dot_general3A {dimension_numbers = #tpu.dot_dimension_numbers<[1], [1], [0], [0], [0, 0, 1, 0], [], []>, transpose_lhs_hint = false} : vector<800x128xf32>, vector<1024x128xf32>, vector<800x1024xf32> -> vector<800x1024xf32>
    %swap3A = arith.constant 0 : index
    %swap3A_7 = arith.constant 0 : index
    %swap3A_8 = vector.load %arg3[%swap3A, %swap3A_7] : memref<800x1024xf32, #tpu.memory_space<vmem>>, vector<800x1024xf32>
    tpu.vector_store %arg3[%swap3A, %swap3A_7], %dot_general3A_6 {strides = array<i32>} : memref<800x1024xf32, #tpu.memory_space<vmem>>, vector<800x1024xf32>,
    return
  }
  func.func @transform_0(%arg0: i32) -> (i32, i32, i32) {
    %c0_i32 = arith.constant 0 : i32
    %c0_i32_0 = arith.constant 0 : i32
    %c0_i32_1 = arith.constant 0 : i32
    return %arg0, %c0_i32, %c0_i32_0 : i32, i32, i32
  }
  func.func @transform_1(%arg0: i32) -> (i32, i32) {
    %c0_i32 = arith.constant 0 : i32
    %c0_i32_0 = arith.constant 0 : i32
    %c0_i32_1 = arith.constant 0 : i32
    return %c0_i32, %c0_i32_0 : i32, i32
  }
  func.func @transform_2(%arg0: i32) -> (i32, i32) {
    %c0_i32 = arith.constant 0 : i32
    %c0_i32_0 = arith.constant 0 : i32
    return %arg0, %c0_i32 : i32, i32
  }
}

module attributes {stable_mosaic.version = 14 : i64} {
  func.func @_finish_kernel(%arg0: i32, %arg1: memref<800x1024xf32, #tpu.memory_space<vmem>>, %arg2: memref<800x1xf32, #tpu.memory_space<vmem>>, %arg3: memref<1024x128xf32, #tpu.memory_space<vmem>>, %arg4: memref<16x1024xi32, #tpu.memory_space<vmem>>, %arg5: memref<16x128xf32, #tpu.memory_space<vmem>>) attributes {dimension_semantics = [#tpu.dimension_semantics<arbitrary>], iteration_bounds = array<i64: 64>, scalar_prefetch = 0 : i64, scratch_operands = 0 : i64, tpu.core_type = #tpu.core_type<tc>, window_params = [{transform_indices = @transform_0, window_bounds = array<i64: 800, 1024>}, {transform_indices = @transform_1, window_bounds = array<i64: 800, 1>}, {pipeline_mode = #tpu.pipeline_mode<synchronous>, transform_indices = @transform_2, window_bounds = array<i64: 1024, 128>}, {transform_indices = @transform_3, window_bounds = array<i64: 16, 1024>}, {transform_indices = @transform_4, window_bounds = array<i64: 16, 128>}]} {
    %get3A = arith.constant 0 : index
    %get3A_0 = arith.constant 0 : index
    %get3A_1 = vector.load %arg1[%get3A, %get3A_0] : memref<800x1024xf32, #tpu.memory_space<vmem>>, vector<800x1024xf32>
    %reshape3A = vector.shape_cast %get3A_1 : vector<800x1024xf32> to vector<16x50x1024xf32>
    %get3A_2 = arith.constant 0 : index
    %get3A_3 = arith.constant 0 : index
    %get3A_4 = vector.load %arg2[%get3A_2, %get3A_3] : memref<800x1xf32, #tpu.memory_space<vmem>>, vector<800x1xf32>
    %reshape3A_5 = vector.shape_cast %get3A_4 : vector<800x1xf32> to vector<16x50x1xf32>
    %ge3A = vector.broadcast %reshape3A_5 : vector<16x50x1xf32> to vector<16x50x1024xf32>
    %ge3A_6 = arith.cmpf oge, %reshape3A, %ge3A : vector<16x50x1024xf32>
    %convert_element_type3A = arith.extui %ge3A_6 : vector<16x50x1024xi1> to vector<16x50x1024xi32>
    %convert_element_type3A_7 = arith.sitofp %convert_element_type3A : vector<16x50x1024xi32> to vector<16x50x1024xf32>
    %reduce_sum3A = arith.constant dense<0.000000e+00> : vector<16x1024xf32>
    %reduce_sum3A_8 = vector.multi_reduction <add>, %convert_element_type3A_7, %reduce_sum3A [1] : vector<16x50x1024xf32> to vector<16x1024xf32>
    %ge3A_9 = arith.constant 5.000000e+01 : f32
    %ge3A_10 = vector.broadcast %ge3A_9 : f32 to vector<16x1024xf32>
    %ge3A_11 = arith.cmpf oge, %reduce_sum3A_8, %ge3A_10 : vector<16x1024xf32>
    %reduce_sum3A_12 = arith.constant dense<0.000000e+00> : vector<16x1024xf32>
    %reduce_sum3A_13 = vector.multi_reduction <add>, %reshape3A, %reduce_sum3A_12 [1] : vector<16x50x1024xf32> to vector<16x1024xf32>
    %div3A = arith.constant 5.000000e+01 : f32
    %div3A_14 = vector.broadcast %div3A : f32 to vector<16x1024xf32>
    %div3A_15 = arith.divf %reduce_sum3A_13, %div3A_14 : vector<16x1024xf32>
    %jit3A = arith.constant -1.000000e+07 : f32
    %broadcast_in_dim3A = vector.broadcast %jit3A : f32 to vector<16x1024xf32>
    %select_n3A = arith.select %ge3A_11, %div3A_15, %broadcast_in_dim3A : vector<16x1024xi1>, vector<16x1024xf32>
    %reduce_max3A = arith.constant dense<0xFF800000> : vector<16xf32>
    %reduce_max3A_16 = vector.multi_reduction <maximumf>, %select_n3A, %reduce_max3A [1] : vector<16x1024xf32> to vector<16xf32>
    %broadcast_in_dim3A_17 = vector.shape_cast %reduce_max3A_16 : vector<16xf32> to vector<16x1xf32>
    %sub3A = vector.broadcast %broadcast_in_dim3A_17 : vector<16x1xf32> to vector<16x1024xf32>
    %sub3A_18 = arith.subf %select_n3A, %sub3A : vector<16x1024xf32>
    %exp3A = math.exp %sub3A_18 : vector<16x1024xf32>
    %reduce_sum3A_19 = arith.constant dense<0.000000e+00> : vector<16xf32>
    %reduce_sum3A_20 = vector.multi_reduction <add>, %exp3A, %reduce_sum3A_19 [1] : vector<16x1024xf32> to vector<16xf32>
    %broadcast_in_dim3A_21 = vector.shape_cast %reduce_sum3A_20 : vector<16xf32> to vector<16x1xf32>
    %div3A_22 = vector.broadcast %broadcast_in_dim3A_21 : vector<16x1xf32> to vector<16x1024xf32>
    %div3A_23 = arith.divf %exp3A, %div3A_22 : vector<16x1024xf32>
    %get3A_24 = arith.constant 0 : index
    %get3A_25 = arith.constant 0 : index
    %get3A_26 = vector.load %arg3[%get3A_24, %get3A_25] : memref<1024x128xf32, #tpu.memory_space<vmem>>, vector<1024x128xf32>
    %dot_general3A = arith.constant dense<0.000000e+00> : vector<16x128xf32>
    %dot_general3A_27 = tpu.matmul %div3A_23, %get3A_26, %dot_general3A {dimension_numbers = #tpu.dot_dimension_numbers<[1], [0], [0], [1], [0, 0, 1, 1], [], []>, transpose_lhs_hint = false} : vector<16x1024xf32>, vector<1024x128xf32>, vector<16x128xf32> -> vector<16x128xf32>
    %mul3A = arith.mulf %dot_general3A_27, %dot_general3A_27 : vector<16x128xf32>
    %reduce_sum3A_28 = arith.constant dense<0.000000e+00> : vector<16xf32>
    %reduce_sum3A_29 = vector.multi_reduction <add>, %mul3A, %reduce_sum3A_28 [1] : vector<16x128xf32> to vector<16xf32>
    %broadcast_in_dim3A_30 = vector.shape_cast %reduce_sum3A_29 : vector<16xf32> to vector<16x1xf32>
    %sqrt3A = math.sqrt %broadcast_in_dim3A_30 : vector<16x1xf32>
    %max3A = arith.constant 9.99999996E-13 : f32
    %max3A_31 = vector.broadcast %max3A : f32 to vector<16x1xf32>
    %max3A_32 = arith.maximumf %sqrt3A, %max3A_31 : vector<16x1xf32>
    %div3A_33 = vector.broadcast %max3A_32 : vector<16x1xf32> to vector<16x128xf32>
    %div3A_34 = arith.divf %dot_general3A_27, %div3A_33 : vector<16x128xf32>
    %swap3A = arith.constant 0 : index
    %swap3A_35 = arith.constant 0 : index
    %swap3A_36 = vector.load %arg4[%swap3A, %swap3A_35] : memref<16x1024xi32, #tpu.memory_space<vmem>>, vector<16x1024xi32>
    %swap3A_37 = arith.extui %ge3A_11 : vector<16x1024xi1> to vector<16x1024xi32>
    %swap3A_38 = arith.constant dense<0> : vector<16x1024xi32>
    %swap3A_39 = arith.cmpi ne, %swap3A_36, %swap3A_38 : vector<16x1024xi32>
    tpu.vector_store %arg4[%swap3A, %swap3A_35], %swap3A_37 {strides = array<i32>} : memref<16x1024xi32, #tpu.memory_space<vmem>>, vector<16x1024xi32>,
    %swap3A_40 = arith.constant 0 : index
    %swap3A_41 = arith.constant 0 : index
    %swap3A_42 = vector.load %arg5[%swap3A_40, %swap3A_41] : memref<16x128xf32, #tpu.memory_space<vmem>>, vector<16x128xf32>
    tpu.vector_store %arg5[%swap3A_40, %swap3A_41], %div3A_34 {strides = array<i32>} : memref<16x128xf32, #tpu.memory_space<vmem>>, vector<16x128xf32>,
    return
  }
  func.func @transform_0(%arg0: i32) -> (i32, i32) {
    %c0_i32 = arith.constant 0 : i32
    %c0_i32_0 = arith.constant 0 : i32
    return %arg0, %c0_i32 : i32, i32
  }
  func.func @transform_1(%arg0: i32) -> (i32, i32) {
    %c0_i32 = arith.constant 0 : i32
    %c0_i32_0 = arith.constant 0 : i32
    return %arg0, %c0_i32 : i32, i32
  }
  func.func @transform_2(%arg0: i32) -> (i32, i32) {
    %c0_i32 = arith.constant 0 : i32
    %c0_i32_0 = arith.constant 0 : i32
    %c0_i32_1 = arith.constant 0 : i32
    return %c0_i32, %c0_i32_0 : i32, i32
  }
  func.func @transform_3(%arg0: i32) -> (i32, i32) {
    %c0_i32 = arith.constant 0 : i32
    %c0_i32_0 = arith.constant 0 : i32
    return %arg0, %c0_i32 : i32, i32
  }
  func.func @transform_4(%arg0: i32) -> (i32, i32) {
    %c0_i32 = arith.constant 0 : i32
    %c0_i32_0 = arith.constant 0 : i32
    return %arg0, %c0_i32 : i32, i32
  }
}

</mosaic_0001>

<sc_bundles>
// kernel: kernel.5.cloned.1.call-start
scs
__scs_entry_jumppad:
0x0: {  	(pc) =	sbr.rel $0x88, $3  }
0x1: {  	(tag) =	ssettag $0x0;
	lr =	simm.s32 $0x1  }
0x2: {  	[smem:$0x3F9F] =	sst lr;
	_ =	strace $0xD0000000  }
0x3: {  	_ = 	snop  }
0x4: {  	_ = 	snop  }
0x5: {  	_ = 	snop  }
0x6: {  	_ = 	snop  }
0x7: {  	_ = 	snop  }
__scs_overlays_trampoline_lowered:
0x8: {  	[smem:$0x3FAE] =	sst s0  }
0x9: {  	[smem:$0x3FAF] =	sst s1  }
0xa: {  	[smem:$0x3FB0] =	sst s2  }
0xb: {  	[smem:$0x3FB1] =	sst s3  }
0xc: {  	[smem:$0x3FB2] =	sst s4  }
0xd: {  	[smem:$0x3FB3] =	sst s5  }
0xe: {  	[smem:$0x3FB4] =	sst s6  }
0xf: {  	[smem:$0x3FB5] =	sst s7  }
0x10: {  	[smem:$0x3FB6] =	sst s8  }
0x11: {  	[smem:$0x3FB7] =	sst s9;
	s0 =	simm.s32 @!p0 $0x0  }
0x12: {  	s1 =	sld [smem:$0x3F9D];
	s0 =	simm.s32 @p0 $0x1  }
0x13: {  	[smem:$0x3FB8] =	sst s0;
	s0 =	simm.s32 @!p1 $0x0  }
0x14: {  	s2 =	sld [smem:$0x3F9C];
	s0 =	simm.s32 @p1 $0x1  }
0x15: {  	[smem:$0x3FB9] =	sst s0;
	s0 =	simm.s32 @!p2 $0x0  }
0x16: {  	s3 =	sld [smem:$0x3FDB];
	s0 =	simm.s32 @p2 $0x1  }
0x17: {  	s4 =	simm.s32 $0x1BF5;
	[smem:$0x3FBB] =	sst s0  }
0x18: {  	s0 =	sld [smem:$0x3F9E];
	_ =	swait.ge [sflag:s4], $0x0  }
0x19: {  	s7 =	sld [smem:$0x3F9F]  }
0x1a: {  	s8 =	sadd.s32 $0xFFFFE003, lr  }
0x1b: {  	s9 =	sadd.s32 $0xFFFFFEF7, lr;
	s5 =	simm.s32 $0xFFFFFFFF;
	p2 =	slt.u32 s8, $0xFFFFF086  }
0x1c: {  	p1 =	slt.u32 s9, $0xF7A;
	s5 =	simm.s32 @!p2 $0x0  }
0x1d: {  	s5 =	simm.s32 @p1 $0x1;
	p0 =	seq.s32 s7, s2  }
0x1e: {  	s7 =	smul.u32 @!p0 $0xF7A, s2;
	p2 =	seq.s32 @!p0 s5, $0x0  }
0x1f: {  	s9 =	smul.u32 $0xF7A, s1;
	s8 =	simm.s32 @!p0 $0x1BF5;
	p2 =	por !p2, p0  }
0x20: {  	[sflag:s8] =	ssyncset.s32 @!p0 $0xFFFFF086;
	s6 =	sadd.s32 @!p0 s3, s7;
	s7 =	simm.s32 @!p0 $0x108  }
0x21: {  	s3 =	sadd.s32 s3, s9;
	s6 =	sadd.s32 @!p0 $0x88, s6;
	s7 =	simm.s32 @p2 $0x1082  }
0x22: {  	[simem:s7], [sflag:s8] =	dma.local @!p0 [hbm:s6], $0xF7A  }
0x23: {  	s9 =	sor.u32 $0xD0000000, s2;
	s6 =	simm.s32 $0x108;
	_ =	swait.ge @!p0 [sflag:s8], $0x0  }
0x24: {  	s3 =	sadd.s32 $0x88, s3;
	s6 =	simm.s32 @!p1 $0x1082;
	[sflag:s4] =	ssyncset.s32 $0xFFFFF086  }
0x25: {  	[simem:s6], [sflag:s4] =	dma.local [hbm:s3], $0xF7A  }
0x26: {  	[smem:$0x3F9F] =	sst s1;
	(tag) =	ssettag s2;
	_ =	strace s9  }
0x27: {  	s1 =	sld [smem:$0x3FAF]  }
0x28: {  	s2 =	sld [smem:$0x3FB0]  }
0x29: {  	s4 =	sld [smem:$0x3FB2]  }
0x2a: {  	p0 =	seq.s32 s5, $0x0;
	s5 =	sld [smem:$0x3FB3]  }
0x2b: {  	s6 =	sld [smem:$0x3FB4]  }
0x2c: {  	s7 =	sld [smem:$0x3FB5]  }
0x2d: {  	s3 =	simm.s32 $0x108;
	s8 =	sld [smem:$0x3FB6]  }
0x2e: {  	s3 =	simm.s32 @!p0 $0x1082;
	s9 =	sld [smem:$0x3FB7]  }
0x2f: {  	lr =	sadd.s32 s0, s3;
	s0 =	sld [smem:$0x3FAE]  }
0x30: {  	s3 =	sld [smem:$0x3FB1]  }
0x31: {  	[smem:$0x3FBA] =	sst s10  }
0x32: {  	s10 =	sld [smem:$0x3FB8];
	_ =	sdelay $0x3  }
0x33: {  	p0 =	seq.s32 s10, $0x1;
	s10 =	sld [smem:$0x3FBA];
	_ =	sdelay $0x3  }
0x34: {  	[smem:$0x3FBA] =	sst s10  }
0x35: {  	s10 =	sld [smem:$0x3FB9];
	_ =	sdelay $0x3  }
0x36: {  	p1 =	seq.s32 s10, $0x1;
	s10 =	sld [smem:$0x3FBA];
	_ =	sdelay $0x3  }
0x37: {  	[smem:$0x3FBA] =	sst s10  }
0x38: {  	s10 =	sld [smem:$0x3FBB]  }
0x39: {  	_ = 	snop;
	(pc) =	sbr.ind lr, $3  }
0x3a: {  	_ = 	snop  }
0x3b: {  	_ = 	snop  }
0x3c: {  	p2 =	seq.s32 s10, $0x1;
	s10 =	sld [smem:$0x3FBA]  }
0x3d: {  	_ =	shalt  }
0x3e: {  	_ =	shalt  }
0x3f: {  	_ =	shalt  }
0x40: {  	_ =	shalt  }
0x41: {  	_ =	shalt  }
0x42: {  	_ =	shalt  }
0x43: {  	_ =	shalt  }
0x44: {  	_ =	shalt  }
0x45: {  	_ =	shalt  }
0x46: {  	_ =	shalt  }
0x47: {  	_ =	shalt  }
0x48: {  	_ =	shalt  }
0x49: {  	_ =	shalt  }
0x4a: {  	_ =	shalt  }
0x4b: {  	_ =	shalt  }
0x4c: {  	_ =	shalt  }
0x4d: {  	_ =	shalt  }
0x4e: {  	_ =	shalt  }
0x4f: {  	_ =	shalt  }
0x50: {  	_ =	shalt  }
0x51: {  	_ =	shalt  }
0x52: {  	_ =	shalt  }
0x53: {  	_ =	shalt  }
0x54: {  	_ =	shalt  }
0x55: {  	_ =	shalt  }
0x56: {  	_ =	shalt  }
0x57: {  	_ =	shalt  }
0x58: {  	_ =	shalt  }
0x59: {  	_ =	shalt  }
0x5a: {  	_ =	shalt  }
0x5b: {  	_ =	shalt  }
0x5c: {  	_ =	shalt  }
0x5d: {  	_ =	shalt  }
0x5e: {  	_ =	shalt  }
0x5f: {  	_ =	shalt  }
0x60: {  	_ =	shalt  }
0x61: {  	_ =	shalt  }
0x62: {  	_ =	shalt  }
0x63: {  	_ =	shalt  }
0x64: {  	_ =	shalt  }
0x65: {  	_ =	shalt  }
0x66: {  	_ =	shalt  }
0x67: {  	_ =	shalt  }
0x68: {  	_ =	shalt  }
0x69: {  	_ =	shalt  }
0x6a: {  	_ =	shalt  }
0x6b: {  	_ =	shalt  }
0x6c: {  	_ =	shalt  }
0x6d: {  	_ =	shalt  }
0x6e: {  	_ =	shalt  }
0x6f: {  	_ =	shalt  }
0x70: {  	_ =	shalt  }
0x71: {  	_ =	shalt  }
0x72: {  	_ =	shalt  }
0x73: {  	_ =	shalt  }
0x74: {  	_ =	shalt  }
0x75: {  	_ =	shalt  }
0x76: {  	_ =	shalt  }
0x77: {  	_ =	shalt  }
0x78: {  	_ =	shalt  }
0x79: {  	_ =	shalt  }
0x7a: {  	_ =	shalt  }
0x7b: {  	_ =	shalt  }
0x7c: {  	_ =	shalt  }
0x7d: {  	_ =	shalt  }
0x7e: {  	_ =	shalt  }
0x7f: {  	_ =	shalt  }
0x80: {  	_ =	shalt  }
0x81: {  	_ =	shalt  }
0x82: {  	_ =	shalt  }
0x83: {  	_ =	shalt  }
0x84: {  	_ =	shalt  }
0x85: {  	_ =	shalt  }
0x86: {  	_ =	shalt  }
0x87: {  	_ =	shalt  }
.Lfunc_end0:
.L_simem_size_0:
called_computation.1_lowered:
.L_overlay_start_0:
0x88: {  	s2 =	sld [smem:$0x3FD9]  }
0x89: {  	s3 =	sld [smem:$0x3FFE];
	_ =	sdelay $0x1  }
0x8a: {  	s1 =	srdreg.scid  }
0x8b: {  	s0 =	sand.u32 $0x1, s1  }
0x8c: {  	s14 =	sshll.u32 s0, $0xA;
	s2 =	sadd.s32 s3, s2  }
0x8d: {  	s2 =	sadd.s32 s2, s14  }
0x8e: {  	[smem:$0x3FC6] =	sst s2  }
0x8f: {  	_ = 	snop  }
0x90: {  	s2 =	sld [smem:$0x3FD0];
	_ =	sdelay $0x2  }
0x91: {  	s15 =	simm.s32 $0xA;
	s4 =	simm.s32 $0x10  }
0x92: {  	[smem:s4], [sflag:s15] =	dma.local [hbm:s2], $0x1  }
0x93: {  	_ =	swait.eq [sflag:s15], $0x1  }
0x94: {  	[sflag:s15] =	ssyncset.done $0x0  }
0x95: {  	[sflag:s15] =	ssyncadd.s32 $0xFFFFFFFF  }
0x96: {  	s16 =	sld [smem:$0x11];
	(tm) =	ssettm $0x1  }
0x97: {  	s17 =	sld [smem:$0x3FFB];
	_ =	sdelay $0x3  }
0x98: {  	_ =	strace s17  }
0x99: {  	s3 =	sld [smem:$0x3FFC];
	_ =	sdelay $0x3  }
0x9a: {  	_ =	strace s3  }
0x9b: {  	s3 =	sld [smem:$0x3FFD];
	_ =	sdelay $0x3  }
0x9c: {  	_ =	strace s3  }
0x9d: {  	_ =	strace $0x8FFFFFFF  }
0x9e: {  	s18 =	sld [smem:$0x3FDB];
	_ =	sdelay $0x1  }
0x9f: {  	s19 =	simm.s32 $_scs_section_size  }
0xa0: {  	s5 =	simm.s32 $_size__tile_overlayer_lowered;
	s6 =	simm.s32 $_tile_overlayer_lowered  }
0xa1: {  	s22 =	simm.s32 $0x1BFF;
	s21 =	sshll.u32 s6, $0x1;
	s3 =	sadd.s32 s19, s18  }
0xa2: {  	s7 =	simm.s32 $0x0;
	s20 =	sshll.u32 s5, $0x1;
	s5 =	sadd.s32 s21, s3  }
0xa3: {  	[timem:s7], [sflag:s22] =	dma.local [hbm:s5], s20  }
0xa4: {  	_ =	swait.ge [sflag:s22], s20  }
0xa5: {  	s4 =	ssub.s32 $0x0, s20;
	[sflag:s22] =	ssyncset.done $0x0  }
0xa6: {  	[sflag:s22] =	ssyncadd.s32 s4;
	_ =	sdelay $0x1  }
0xa7: {  	s23 =	simm.s32 $0x1B8B  }
0xa8: {  	_ =	swait.ge [sflag:s23], $0x1  }
0xa9: {  	[sflag:s23] =	ssyncset.done $0x0  }
0xaa: {  	s25 =	simm.s32 $0x1B8E;
	s24 =	sld [smem:$0x3FFE];
	[sflag:s23] =	ssyncadd.s32 $0xFFFFFFFF  }
0xab: {  	s26 =	simm.s32 $execute0_lowered;
	[smem:$0x3FD2] =	sst s25  }
0xac: {  	s5 =	sshll.u32 s26, $0x1;
	_ =	strace $0x80000049;
	[dreg:$0x1] =	wrdreg $0xFFFFFFFF  }
0xad: {  	s28 =	simm.s32 $_size_execute0_lowered;
	s3 =	sadd.s32 s3, s5;
	[dreg:$0x0] =	wrdreg $0x0  }
0xae: {  	s5 =	sshll.u32 s28, $0x1;
	[dreg:$0x2] =	wrdreg s3  }
0xaf: {  	[dreg:$0x3] =	wrdreg s5  }
0xb0: {  	[dreg:$0x4] =	wrdreg $0xC0  }
0xb1: {  	_ =	task [dreg:s7], $0x5FFFF  }
0xb2: {  	[dreg:$0x1] =	wrdreg $0xFFFFFFFF  }
0xb3: {  	[dreg:$0x0] =	wrdreg $0x60  }
0xb4: {  	[dreg:$0x2] =	wrdreg s24  }
0xb5: {  	[dreg:$0x3] =	wrdreg s16  }
0xb6: {  	[dreg:$0x4] =	wrdreg $0x9  }
0xb7: {  	_ =	task.clear_ibuf [dreg:s7], $0x5FFFF;
	_ =	strace $0x90000049  }
0xb8: {  	s29 =	simm.s32 $0x9;
	_ =	strace $0x8000004B  }
0xb9: {  	_ =	swait.ge [sflag:s29], $0x1  }
0xba: {  	[sflag:s29] =	ssyncadd.s32 $0xFFFFFFFF  }
0xbb: {  	_ =	strace $0x9000004B  }
0xbc: {  	_ =	sfence  }
0xbd: {  	s30 =	sld [smem:$0x0];
	_ =	sdelay $0x2  }
0xbe: {  	s31 =	sshll.u32 s1, $0xD;
	s1 =	sshrl.u32 s1, $0x2  }
0xbf: {  	s3 =	sand.u32 $0x4000, s31;
	s1 =	sadd.s32 s1, s30  }
0xc0: {  	s0 =	sor.u32 s3, s0;
	s1 =	sshll.u32 s1, $0x11  }
0xc1: {  	s0 =	sor.u32 s1, s0  }
0xc2: {  	s0 =	sadd.s32 $0x8F2B, s0  }
0xc3: {  	[sflag:s0] =	ssyncadd.remote.s32 $0x1  }
0xc4: {  	_ =	sfence.sel $0xFFFF  }
0xc5: {  	[dreg:$0x0] =	wrdreg $0xFFFFFFFF;
	(pc) =	sbr.abs _section_cstart, $3  }
0xc6: {  	[dreg:$0x1] =	wrdreg $0xFFFFFFFF  }
0xc7: {  	_ =	task.clear_ibuf [dreg:s7], $0x2FFFF;
	_ =	strace $0x9FFFFFFF  }
0xc8: {  	(tm) =	ssettm $0x7FFFFFFF  }
0xc9: {  	_ =	shalt  }
tec
execute0_lowered:
.L_overlay_start_1:
0x0: {  	(tag) =	ssettag $0x1  }
0x1: {  	v0 =	vimm.s32 $0xEFCDAB89  }
0x2: {  	v1 =	vimm.s32 $0x67452301;
	v2 =	vimm.s32 $0xDCFE98BA;
	v3 =	vimm.s32 $0x54761032  }
0x3: {  	v4 =	vimm.s32 $0xBA98FEDC;
	v5 =	vimm.s32 $0x32107654;
	v6 =	vimm.s32 $0xFEDCBA98  }
0x4: {  	v7 =	vimm.s32 $0x76543210;
	v0 =	vunpack.c.l.s4.s8 v0;
	v1 =	vunpack.c.l.s4.s8 v1  }
0x5: {  	v2 =	vunpack.c.l.s4.s8 v2;
	v3 =	vunpack.c.l.s4.s8 v3;
	v4 =	vunpack.c.l.s4.s8 v4  }
0x6: {  	s4 =	rddreg [dreg:$0x0];
	v5 =	vunpack.c.l.s4.s8 v5;
	v6 =	vunpack.c.l.s4.s8 v6;
	v0 =	vunpack.c.0.s8.s32 v0  }
0x7: {  	s1 =	rddreg [dreg:$0x1];
	s3 =	srdreg.scid;
	v1 =	vunpack.c.0.s8.s32 v1;
	v2 =	vunpack.c.0.s8.s32 v2;
	v3 =	vunpack.c.0.s8.s32 v3  }
0x8: {  	s0 =	rddreg [dreg:$0x2];
	s2 =	simm.s32 $0x0;
	s9 =	simm.s32 $0x2;
	v7 =	vunpack.c.l.s4.s8 v7;
	v4 =	vunpack.c.0.s8.s32 v4;
	v5 =	vunpack.c.0.s8.s32 v5  }
0x9: {  	s10 =	simm.s32 $0x0;
	s5 =	sand.u32 $0x1, s3;
	[smem:$0x7FF] =	sst s2;
	v1 =	vcombine.low v1, v0;
	v3 =	vcombine.low v3, v2;
	v2 =	vunpack.c.0.s8.s32 v6  }
0xa: {  	s3 =	stileid.u32;
	s4 =	sadd.s32 $0x720E00, s4;
	s6 =	ssub.s32 $0x2, s5;
	v4 =	vcombine.low v5, v4;
	v5 =	vunpack.c.0.s8.s32 v7;
	v0 =	vlaneseq.u32  }
0xb: {  	_ =	strace $0x8000004A;
	s8 =	sshll.u32 s3, $0x1;
	s7 =	sshrl.u32 s6, $0x1;
	v1 =	vand.u32 $0xF, v1;
	v6 =	vand.u32 $0xF, v2;
	v2 =	vmul.u32 $0x10, v0  }
0xc: {  	s5 =	sor.u32 s5, s8;
	s8 =	simm.s32 $0x8000;
	s6 =	ssub.s32 s6, s7;
	v3 =	vand.u32 $0xF, v3;
	v4 =	vand.u32 $0xF, v4;
	v5 =	vcombine.low v6, v5  }
0xd: {  	s5 =	smul.u32 $0x640, s5;
	s7 =	simm.s32 $0x1;
	s6 =	smax.u32 s6, $0x1;
	v6 =	vor.u32 $0x100, v2;
	v7 =	vor.u32 $0x200, v2;
	v8 =	vor.u32 $0x300, v2  }
.LBB2_1:
0xe: {  	s11 =	simm.s32 $0x0  }
.LBB2_2:
0xf: {  	s12 =	sshll.u32 s11, $0x5  }
0x10: {  	s12 =	sadd.s32 s5, s12  }
0x11: {  	s13 =	sshll.u32 s12, $0x7  }
0x12: {  	s14 =	sadd.s32 s4, s13;
	s13 =	simm.s32 $0x0  }
0x13: {  	[tilespmem:s13], [sflag:$0x1] =	stream.linear.gather [hbm4b:s14+s13], $0x8000, $0x38;
	[tilespmem:$0x8080] =	vst v63  }
0x14: {  	_ =	swait.ge [sflag:s7], $0x8000  }
0x15: {  	[sflag:s7] =	ssyncset.done $0x0  }
0x16: {  	v9 =	vimm.f32 $0.0e+00;
	[sflag:s7] =	ssyncadd.s32 $0xFFFF8000  }
.LBB2_3:
0x17: {  	s14 =	sshll.u32 s13, $0xA  }
0x18: {  	v10 =	vld [tilespmem:s14+$0x0]  }
0x19: {  	v11 =	vld [tilespmem:s14+$0x10]  }
0x1a: {  	v12 =	vld [tilespmem:s14+$0x20]  }
0x1b: {  	v13 =	vld [tilespmem:s14+$0x30]  }
0x1c: {  	v14 =	vld [tilespmem:s14+$0x40]  }
0x1d: {  	v15 =	vld [tilespmem:s14+$0x50]  }
0x1e: {  	v10 =	vmax.f32 v10, v11;
	v11 =	vld [tilespmem:s14+$0x60]  }
0x1f: {  	v10 =	vmax.f32 v10, v12;
	v12 =	vld [tilespmem:s14+$0x70]  }
0x20: {  	v10 =	vmax.f32 v10, v13;
	v13 =	vld [tilespmem:s14+$0x80]  }
0x21: {  	v10 =	vmax.f32 v10, v14;
	v14 =	vld [tilespmem:s14+$0x90]  }
0x22: {  	v10 =	vmax.f32 v10, v15;
	v15 =	vld [tilespmem:s14+$0xA0]  }
0x23: {  	v10 =	vmax.f32 v10, v11;
	v11 =	vld [tilespmem:s14+$0xB0]  }
0x24: {  	v10 =	vmax.f32 v10, v12;
	v12 =	vld [tilespmem:s14+$0xC0]  }
0x25: {  	v10 =	vmax.f32 v10, v13;
	v13 =	vld [tilespmem:s14+$0xD0]  }
0x26: {  	v10 =	vmax.f32 v10, v14;
	v14 =	vld [tilespmem:s14+$0xE0]  }
0x27: {  	v10 =	vmax.f32 v10, v15;
	v15 =	vld [tilespmem:s14+$0xF0]  }
0x28: {  	v10 =	vmax.f32 v10, v11;
	v11 =	vld [tilespmem:s14+$0x100]  }
0x29: {  	v10 =	vmax.f32 v10, v12;
	v12 =	vld [tilespmem:s14+$0x110]  }
0x2a: {  	v10 =	vmax.f32 v10, v13;
	v13 =	vld [tilespmem:s14+$0x120]  }
0x2b: {  	v10 =	vmax.f32 v10, v14;
	v14 =	vld [tilespmem:s14+$0x130]  }
0x2c: {  	v10 =	vmax.f32 v10, v15;
	v15 =	vld [tilespmem:s14+$0x140]  }
0x2d: {  	v10 =	vmax.f32 v10, v11;
	v11 =	vld [tilespmem:s14+$0x150]  }
0x2e: {  	v10 =	vmax.f32 v10, v12;
	v12 =	vld [tilespmem:s14+$0x160]  }
0x2f: {  	v10 =	vmax.f32 v10, v13;
	v13 =	vld [tilespmem:s14+$0x170]  }
0x30: {  	v10 =	vmax.f32 v10, v14;
	v14 =	vld [tilespmem:s14+$0x180]  }
0x31: {  	v10 =	vmax.f32 v10, v15;
	v15 =	vld [tilespmem:s14+$0x190]  }
0x32: {  	v10 =	vmax.f32 v10, v11;
	v11 =	vld [tilespmem:s14+$0x1A0]  }
0x33: {  	v10 =	vmax.f32 v10, v12;
	v12 =	vld [tilespmem:s14+$0x1B0]  }
0x34: {  	v10 =	vmax.f32 v10, v13;
	v13 =	vld [tilespmem:s14+$0x1C0]  }
0x35: {  	v10 =	vmax.f32 v10, v14;
	v14 =	vld [tilespmem:s14+$0x1D0]  }
0x36: {  	v10 =	vmax.f32 v10, v15;
	v15 =	vld [tilespmem:s14+$0x1E0]  }
0x37: {  	v10 =	vmax.f32 v10, v11;
	v11 =	vld [tilespmem:s14+$0x1F0]  }
0x38: {  	v10 =	vmax.f32 v10, v12;
	v12 =	vld [tilespmem:s14+$0x200]  }
0x39: {  	v10 =	vmax.f32 v10, v13;
	v13 =	vld [tilespmem:s14+$0x210]  }
0x3a: {  	v10 =	vmax.f32 v10, v14;
	v14 =	vld [tilespmem:s14+$0x220]  }
0x3b: {  	v10 =	vmax.f32 v10, v15;
	v15 =	vld [tilespmem:s14+$0x230]  }
0x3c: {  	v10 =	vmax.f32 v10, v11;
	v11 =	vld [tilespmem:s14+$0x240]  }
0x3d: {  	v10 =	vmax.f32 v10, v12;
	v12 =	vld [tilespmem:s14+$0x250]  }
0x3e: {  	v10 =	vmax.f32 v10, v13;
	v13 =	vld [tilespmem:s14+$0x260]  }
0x3f: {  	v10 =	vmax.f32 v10, v14;
	v14 =	vld [tilespmem:s14+$0x270]  }
0x40: {  	v10 =	vmax.f32 v10, v15;
	v15 =	vld [tilespmem:s14+$0x280]  }
0x41: {  	v10 =	vmax.f32 v10, v11;
	v11 =	vld [tilespmem:s14+$0x290]  }
0x42: {  	v10 =	vmax.f32 v10, v12;
	v12 =	vld [tilespmem:s14+$0x2A0]  }
0x43: {  	v10 =	vmax.f32 v10, v13;
	v13 =	vld [tilespmem:s14+$0x2B0]  }
0x44: {  	v10 =	vmax.f32 v10, v14;
	v14 =	vld [tilespmem:s14+$0x2C0]  }
0x45: {  	v10 =	vmax.f32 v10, v15;
	v15 =	vld [tilespmem:s14+$0x2D0]  }
0x46: {  	v10 =	vmax.f32 v10, v11;
	v11 =	vld [tilespmem:s14+$0x2E0]  }
0x47: {  	v10 =	vmax.f32 v10, v12;
	v12 =	vld [tilespmem:s14+$0x2F0]  }
0x48: {  	v10 =	vmax.f32 v10, v13;
	v13 =	vld [tilespmem:s14+$0x300]  }
0x49: {  	v10 =	vmax.f32 v10, v14;
	v14 =	vld [tilespmem:s14+$0x310]  }
0x4a: {  	v10 =	vmax.f32 v10, v15;
	v15 =	vld [tilespmem:s14+$0x320]  }
0x4b: {  	v10 =	vmax.f32 v10, v11;
	v11 =	vld [tilespmem:s14+$0x330]  }
0x4c: {  	v10 =	vmax.f32 v10, v12;
	v12 =	vld [tilespmem:s14+$0x340]  }
0x4d: {  	v10 =	vmax.f32 v10, v13;
	v13 =	vld [tilespmem:s14+$0x350]  }
0x4e: {  	v10 =	vmax.f32 v10, v14;
	v14 =	vld [tilespmem:s14+$0x360]  }
0x4f: {  	v10 =	vmax.f32 v10, v15;
	v15 =	vld [tilespmem:s14+$0x370]  }
0x50: {  	v10 =	vmax.f32 v10, v11;
	v11 =	vld [tilespmem:s14+$0x380]  }
0x51: {  	v10 =	vmax.f32 v10, v12;
	v12 =	vld [tilespmem:s14+$0x390]  }
0x52: {  	v10 =	vmax.f32 v10, v13;
	v13 =	vld [tilespmem:s14+$0x3A0]  }
0x53: {  	v10 =	vmax.f32 v10, v14;
	v14 =	vld [tilespmem:s14+$0x3B0]  }
0x54: {  	v10 =	vmax.f32 v10, v15;
	v15 =	vld [tilespmem:s14+$0x3C0]  }
0x55: {  	v10 =	vmax.f32 v10, v11;
	v11 =	vld [tilespmem:s14+$0x3D0]  }
0x56: {  	v10 =	vmax.f32 v10, v12;
	v12 =	vld [tilespmem:s14+$0x3E0]  }
0x57: {  	v10 =	vmax.f32 v10, v13;
	v13 =	vld [tilespmem:s14+$0x3F0]  }
0x58: {  	v10 =	vmax.f32 v10, v14  }
0x59: {  	v10 =	vmax.f32 v10, v15  }
0x5a: {  	v10 =	vmax.f32 v10, v11  }
0x5b: {  	v10 =	vmax.f32 v10, v12  }
0x5c: {  	v10 =	vmax.f32 v10, v13  }
0x5d: {  	v12 =	vperm.xlane v10, v1  }
0x5e: {  	v11 =	vmov s14;
	s14 =	simm.s32 $0x13  }
.LBB2_4:
0x5f: {  	p0 =	sne.s32 s14, $0x1;
	v12 =	vmax.f32 v10, v12  }
0x60: {  	v13 =	vperm.xlane v12, v3;
	_ =	sdelay $0x1  }
0x61: {  	v12 =	vmax.f32 v12, v13  }
0x62: {  	v13 =	vperm.xlane v12, v4;
	_ =	sdelay $0x1  }
0x63: {  	v12 =	vmax.f32 v12, v13  }
0x64: {  	v13 =	vperm.xlane v12, v5;
	_ =	sdelay $0x1  }
0x65: {  	v12 =	vmax.f32 v12, v13  }
0x66: {  	vm0 =	veq.f32 v10, v12  }
0x67: {  	v13 =	vnsel vm0, $0x10, v0  }
0x68: {  	v14 =	vperm.xlane v13, v1;
	_ =	sdelay $0x1  }
0x69: {  	vm1 =	vlt.s32 v13, v14  }
0x6a: {  	v13 =	vsel vm1, v13, v14  }
0x6b: {  	v14 =	vperm.xlane v13, v3;
	_ =	sdelay $0x1  }
0x6c: {  	vm1 =	vlt.s32 v13, v14  }
0x6d: {  	v13 =	vsel vm1, v13, v14  }
0x6e: {  	v14 =	vperm.xlane v13, v4;
	_ =	sdelay $0x1  }
0x6f: {  	vm1 =	vlt.s32 v13, v14  }
0x70: {  	v13 =	vsel vm1, v13, v14  }
0x71: {  	v14 =	vperm.xlane v13, v5;
	_ =	sdelay $0x1  }
0x72: {  	vm1 =	vlt.s32 v13, v14  }
0x73: {  	v13 =	vsel vm1, v13, v14  }
0x74: {  	v13 =	vadd.s32 v11, v13  }
0x75: {  	v14 =	vadd.s32 v2, v13  }
0x76: {  	v15 =	vadd.s32 v6, v13  }
0x77: {  	v16 =	vadd.s32 v7, v13  }
0x78: {  	v13 =	vadd.s32 v8, v13;
	_ =	sdelay $0x1  }
0x79: {  	v14 =	vld.idx.msk [tilespmem:v14+s2+$0x0], $0xffff  }
0x7a: {  	v15 =	vld.idx.msk [tilespmem:v15+s2+$0x0], $0xffff  }
0x7b: {  	v16 =	vld.idx.msk [tilespmem:v16+s2+$0x0], $0xffff  }
0x7c: {  	v13 =	vld.idx.msk [tilespmem:v13+s2+$0x0], $0xffff;
	_ =	sdelay $0x3  }
0x7d: {  	vm1 =	vlt.f32 v14, v12;
	v14 =	vmax.f32 v14, $-3.000000010e+38;
	vm2 =	vlt.f32 v15, v12  }
0x7e: {  	v14 =	vnsel vm1, $0xFF61B1E6, v14;
	v15 =	vnsel vm2, $0xFF61B1E6, v15;
	vm1 =	vlt.f32 v16, v12  }
0x7f: {  	v14 =	vmax.f32 v14, v15;
	v15 =	vnsel vm1, $0xFF61B1E6, v16;
	vm1 =	vlt.f32 v13, v12  }
0x80: {  	v12 =	vmax.f32 v14, v15;
	v13 =	vnsel vm1, $0xFF61B1E6, v13  }
0x81: {  	v12 =	vmax.f32 v12, v13  }
0x82: {  	v13 =	vperm.xlane v12, v1;
	_ =	sdelay $0x1  }
0x83: {  	v12 =	vmax.f32 v12, v13  }
0x84: {  	v13 =	vperm.xlane v12, v3;
	_ =	sdelay $0x1  }
0x85: {  	v12 =	vmax.f32 v12, v13  }
0x86: {  	v13 =	vperm.xlane v12, v4;
	_ =	sdelay $0x1  }
0x87: {  	v12 =	vmax.f32 v12, v13  }
0x88: {  	v13 =	vperm.xlane v12, v5  }
.Ltmp0:
0x89: {  	(pc) =	sbr.rel @p0 .LBB2_4-.Ltmp0, $4  }
0x8a: {  	v12 =	vmax.f32 v12, v13  }
0x8b: {  	v10 =	vsel vm0, v12, v10  }
0x8c: {  	v12 =	vperm.xlane v10, v1  }
0x8d: {  	s14 =	sadd.s32 $0xFFFFFFFF, s14  }
0x8e: {  	v10 =	vmax.f32 v10, v12  }
0x8f: {  	v11 =	vperm.xlane v10, v3;
	_ =	sdelay $0x1  }
0x90: {  	v10 =	vmax.f32 v10, v11  }
0x91: {  	v63 =	vmov s13;
	s13 =	sadd.s32 $0x1, s13;
	v11 =	vperm.xlane v10, v4  }
0x92: {  	p0 =	sne.s32 s13, $0x10  }
.Ltmp1:
0x93: {  	v10 =	vmax.f32 v10, v11;
	(pc) =	sbr.rel @p0 .LBB2_3-.Ltmp1, $3  }
0x94: {  	v11 =	vperm.xlane v10, v5;
	_ =	sdelay $0x1  }
0x95: {  	vm0 =	veq.s32 v63, v0;
	v10 =	vmax.f32 v10, v11  }
0x96: {  	v9 =	vsel vm0, v10, v9  }
0x97: {  	[tilespmem:$0x8000] =	vst v9;
	s13 =	simm.s32 $0x0;
	v9 =	vimm.f32 $0.0e+00  }
.LBB2_7:
0x98: {  	s15 =	sshll.u32 s13, $0xA  }
0x99: {  	s14 =	sor.u32 $0x4000, s15;
	v11 =	vld [tilespmem:s15+$0x4010]  }
0x9a: {  	v10 =	vld [tilespmem:s14+$0x0]  }
0x9b: {  	v12 =	vld [tilespmem:s15+$0x4020]  }
0x9c: {  	v13 =	vld [tilespmem:s15+$0x4030]  }
0x9d: {  	v14 =	vld [tilespmem:s15+$0x4040]  }
0x9e: {  	v15 =	vld [tilespmem:s15+$0x4050]  }
0x9f: {  	v10 =	vmax.f32 v10, v11;
	v11 =	vld [tilespmem:s15+$0x4060]  }
0xa0: {  	v10 =	vmax.f32 v10, v12;
	v12 =	vld [tilespmem:s15+$0x4070]  }
0xa1: {  	v10 =	vmax.f32 v10, v13;
	v13 =	vld [tilespmem:s15+$0x4080]  }
0xa2: {  	v10 =	vmax.f32 v10, v14;
	v14 =	vld [tilespmem:s15+$0x4090]  }
0xa3: {  	v10 =	vmax.f32 v10, v15;
	v15 =	vld [tilespmem:s15+$0x40A0]  }
0xa4: {  	v10 =	vmax.f32 v10, v11;
	v11 =	vld [tilespmem:s15+$0x40B0]  }
0xa5: {  	v10 =	vmax.f32 v10, v12;
	v12 =	vld [tilespmem:s15+$0x40C0]  }
0xa6: {  	v10 =	vmax.f32 v10, v13;
	v13 =	vld [tilespmem:s15+$0x40D0]  }
0xa7: {  	v10 =	vmax.f32 v10, v14;
	v14 =	vld [tilespmem:s15+$0x40E0]  }
0xa8: {  	v10 =	vmax.f32 v10, v15;
	v15 =	vld [tilespmem:s15+$0x40F0]  }
0xa9: {  	v10 =	vmax.f32 v10, v11;
	v11 =	vld [tilespmem:s15+$0x4100]  }
0xaa: {  	v10 =	vmax.f32 v10, v12;
	v12 =	vld [tilespmem:s15+$0x4110]  }
0xab: {  	v10 =	vmax.f32 v10, v13;
	v13 =	vld [tilespmem:s15+$0x4120]  }
0xac: {  	v10 =	vmax.f32 v10, v14;
	v14 =	vld [tilespmem:s15+$0x4130]  }
0xad: {  	v10 =	vmax.f32 v10, v15;
	v15 =	vld [tilespmem:s15+$0x4140]  }
0xae: {  	v10 =	vmax.f32 v10, v11;
	v11 =	vld [tilespmem:s15+$0x4150]  }
0xaf: {  	v10 =	vmax.f32 v10, v12;
	v12 =	vld [tilespmem:s15+$0x4160]  }
0xb0: {  	v10 =	vmax.f32 v10, v13;
	v13 =	vld [tilespmem:s15+$0x4170]  }
0xb1: {  	v10 =	vmax.f32 v10, v14;
	v14 =	vld [tilespmem:s15+$0x4180]  }
0xb2: {  	v10 =	vmax.f32 v10, v15;
	v15 =	vld [tilespmem:s15+$0x4190]  }
0xb3: {  	v10 =	vmax.f32 v10, v11;
	v11 =	vld [tilespmem:s15+$0x41A0]  }
0xb4: {  	v10 =	vmax.f32 v10, v12;
	v12 =	vld [tilespmem:s15+$0x41B0]  }
0xb5: {  	v10 =	vmax.f32 v10, v13;
	v13 =	vld [tilespmem:s15+$0x41C0]  }
0xb6: {  	v10 =	vmax.f32 v10, v14;
	v14 =	vld [tilespmem:s15+$0x41D0]  }
0xb7: {  	v10 =	vmax.f32 v10, v15;
	v15 =	vld [tilespmem:s15+$0x41E0]  }
0xb8: {  	v10 =	vmax.f32 v10, v11;
	v11 =	vld [tilespmem:s15+$0x41F0]  }
0xb9: {  	v10 =	vmax.f32 v10, v12;
	v12 =	vld [tilespmem:s15+$0x4200]  }
0xba: {  	v10 =	vmax.f32 v10, v13;
	v13 =	vld [tilespmem:s15+$0x4210]  }
0xbb: {  	v10 =	vmax.f32 v10, v14;
	v14 =	vld [tilespmem:s15+$0x4220]  }
0xbc: {  	v10 =	vmax.f32 v10, v15;
	v15 =	vld [tilespmem:s15+$0x4230]  }
0xbd: {  	v10 =	vmax.f32 v10, v11;
	v11 =	vld [tilespmem:s15+$0x4240]  }
0xbe: {  	v10 =	vmax.f32 v10, v12;
	v12 =	vld [tilespmem:s15+$0x4250]  }
0xbf: {  	v10 =	vmax.f32 v10, v13;
	v13 =	vld [tilespmem:s15+$0x4260]  }
0xc0: {  	v10 =	vmax.f32 v10, v14;
	v14 =	vld [tilespmem:s15+$0x4270]  }
0xc1: {  	v10 =	vmax.f32 v10, v15;
	v15 =	vld [tilespmem:s15+$0x4280]  }
0xc2: {  	v10 =	vmax.f32 v10, v11;
	v11 =	vld [tilespmem:s15+$0x4290]  }
0xc3: {  	v10 =	vmax.f32 v10, v12;
	v12 =	vld [tilespmem:s15+$0x42A0]  }
0xc4: {  	v10 =	vmax.f32 v10, v13;
	v13 =	vld [tilespmem:s15+$0x42B0]  }
0xc5: {  	v10 =	vmax.f32 v10, v14;
	v14 =	vld [tilespmem:s15+$0x42C0]  }
0xc6: {  	v10 =	vmax.f32 v10, v15;
	v15 =	vld [tilespmem:s15+$0x42D0]  }
0xc7: {  	v10 =	vmax.f32 v10, v11;
	v11 =	vld [tilespmem:s15+$0x42E0]  }
0xc8: {  	v10 =	vmax.f32 v10, v12;
	v12 =	vld [tilespmem:s15+$0x42F0]  }
0xc9: {  	v10 =	vmax.f32 v10, v13;
	v13 =	vld [tilespmem:s15+$0x4300]  }
0xca: {  	v10 =	vmax.f32 v10, v14;
	v14 =	vld [tilespmem:s15+$0x4310]  }
0xcb: {  	v10 =	vmax.f32 v10, v15;
	v15 =	vld [tilespmem:s15+$0x4320]  }
0xcc: {  	v10 =	vmax.f32 v10, v11;
	v11 =	vld [tilespmem:s15+$0x4330]  }
0xcd: {  	v10 =	vmax.f32 v10, v12;
	v12 =	vld [tilespmem:s15+$0x4340]  }
0xce: {  	v10 =	vmax.f32 v10, v13;
	v13 =	vld [tilespmem:s15+$0x4350]  }
0xcf: {  	v10 =	vmax.f32 v10, v14;
	v14 =	vld [tilespmem:s15+$0x4360]  }
0xd0: {  	v10 =	vmax.f32 v10, v15;
	v15 =	vld [tilespmem:s15+$0x4370]  }
0xd1: {  	v10 =	vmax.f32 v10, v11;
	v11 =	vld [tilespmem:s15+$0x4380]  }
0xd2: {  	v10 =	vmax.f32 v10, v12;
	v12 =	vld [tilespmem:s15+$0x4390]  }
0xd3: {  	v10 =	vmax.f32 v10, v13;
	v13 =	vld [tilespmem:s15+$0x43A0]  }
0xd4: {  	v10 =	vmax.f32 v10, v14;
	v14 =	vld [tilespmem:s15+$0x43B0]  }
0xd5: {  	v10 =	vmax.f32 v10, v15;
	v15 =	vld [tilespmem:s15+$0x43C0]  }
0xd6: {  	v10 =	vmax.f32 v10, v11;
	v11 =	vld [tilespmem:s15+$0x43D0]  }
0xd7: {  	v10 =	vmax.f32 v10, v12;
	v12 =	vld [tilespmem:s15+$0x43E0]  }
0xd8: {  	v10 =	vmax.f32 v10, v13;
	v13 =	vld [tilespmem:s15+$0x43F0]  }
0xd9: {  	v10 =	vmax.f32 v10, v14  }
0xda: {  	v10 =	vmax.f32 v10, v15  }
0xdb: {  	v10 =	vmax.f32 v10, v11  }
0xdc: {  	v10 =	vmax.f32 v10, v12  }
0xdd: {  	v10 =	vmax.f32 v10, v13  }
0xde: {  	v12 =	vperm.xlane v10, v1  }
0xdf: {  	v11 =	vmov s14;
	s14 =	simm.s32 $0x13  }
.LBB2_8:
0xe0: {  	p0 =	sne.s32 s14, $0x1;
	v12 =	vmax.f32 v10, v12  }
0xe1: {  	v13 =	vperm.xlane v12, v3;
	_ =	sdelay $0x1  }
0xe2: {  	v12 =	vmax.f32 v12, v13  }
0xe3: {  	v13 =	vperm.xlane v12, v4;
	_ =	sdelay $0x1  }
0xe4: {  	v12 =	vmax.f32 v12, v13  }
0xe5: {  	v13 =	vperm.xlane v12, v5;
	_ =	sdelay $0x1  }
0xe6: {  	v12 =	vmax.f32 v12, v13  }
0xe7: {  	vm0 =	veq.f32 v10, v12  }
0xe8: {  	v13 =	vnsel vm0, $0x10, v0  }
0xe9: {  	v14 =	vperm.xlane v13, v1;
	_ =	sdelay $0x1  }
0xea: {  	vm1 =	vlt.s32 v13, v14  }
0xeb: {  	v13 =	vsel vm1, v13, v14  }
0xec: {  	v14 =	vperm.xlane v13, v3;
	_ =	sdelay $0x1  }
0xed: {  	vm1 =	vlt.s32 v13, v14  }
0xee: {  	v13 =	vsel vm1, v13, v14  }
0xef: {  	v14 =	vperm.xlane v13, v4;
	_ =	sdelay $0x1  }
0xf0: {  	vm1 =	vlt.s32 v13, v14  }
0xf1: {  	v13 =	vsel vm1, v13, v14  }
0xf2: {  	v14 =	vperm.xlane v13, v5;
	_ =	sdelay $0x1  }
0xf3: {  	vm1 =	vlt.s32 v13, v14  }
0xf4: {  	v13 =	vsel vm1, v13, v14  }
0xf5: {  	v13 =	vadd.s32 v11, v13  }
0xf6: {  	v14 =	vadd.s32 v2, v13  }
0xf7: {  	v15 =	vadd.s32 v6, v13  }
0xf8: {  	v16 =	vadd.s32 v7, v13  }
0xf9: {  	v13 =	vadd.s32 v8, v13;
	_ =	sdelay $0x1  }
0xfa: {  	v14 =	vld.idx.msk [tilespmem:v14+s2+$0x0], $0xffff  }
0xfb: {  	v15 =	vld.idx.msk [tilespmem:v15+s2+$0x0], $0xffff  }
0xfc: {  	v16 =	vld.idx.msk [tilespmem:v16+s2+$0x0], $0xffff  }
0xfd: {  	v13 =	vld.idx.msk [tilespmem:v13+s2+$0x0], $0xffff;
	_ =	sdelay $0x3  }
0xfe: {  	vm1 =	vlt.f32 v14, v12;
	v14 =	vmax.f32 v14, $-3.000000010e+38;
	vm2 =	vlt.f32 v15, v12  }
0xff: {  	v14 =	vnsel vm1, $0xFF61B1E6, v14;
	v15 =	vnsel vm2, $0xFF61B1E6, v15;
	vm1 =	vlt.f32 v16, v12  }
0x100: {  	v14 =	vmax.f32 v14, v15;
	v15 =	vnsel vm1, $0xFF61B1E6, v16;
	vm1 =	vlt.f32 v13, v12  }
0x101: {  	v12 =	vmax.f32 v14, v15;
	v13 =	vnsel vm1, $0xFF61B1E6, v13  }
0x102: {  	v12 =	vmax.f32 v12, v13  }
0x103: {  	v13 =	vperm.xlane v12, v1;
	_ =	sdelay $0x1  }
0x104: {  	v12 =	vmax.f32 v12, v13  }
0x105: {  	v13 =	vperm.xlane v12, v3;
	_ =	sdelay $0x1  }
0x106: {  	v12 =	vmax.f32 v12, v13  }
0x107: {  	v13 =	vperm.xlane v12, v4;
	_ =	sdelay $0x1  }
0x108: {  	v12 =	vmax.f32 v12, v13  }
0x109: {  	v13 =	vperm.xlane v12, v5  }
.Ltmp2:
0x10a: {  	(pc) =	sbr.rel @p0 .LBB2_8-.Ltmp2, $4  }
0x10b: {  	v12 =	vmax.f32 v12, v13  }
0x10c: {  	v10 =	vsel vm0, v12, v10  }
0x10d: {  	v12 =	vperm.xlane v10, v1  }
0x10e: {  	s14 =	sadd.s32 $0xFFFFFFFF, s14  }
0x10f: {  	v10 =	vmax.f32 v10, v12  }
0x110: {  	v11 =	vperm.xlane v10, v3;
	_ =	sdelay $0x1  }
0x111: {  	v10 =	vmax.f32 v10, v11  }
0x112: {  	v63 =	vmov s13;
	s13 =	sadd.s32 $0x1, s13;
	v11 =	vperm.xlane v10, v4  }
0x113: {  	p0 =	sne.s32 s13, $0x10  }
.Ltmp3:
0x114: {  	v10 =	vmax.f32 v10, v11;
	(pc) =	sbr.rel @p0 .LBB2_7-.Ltmp3, $3  }
0x115: {  	v11 =	vperm.xlane v10, v5;
	_ =	sdelay $0x1  }
0x116: {  	vm0 =	veq.s32 v63, v0;
	v10 =	vmax.f32 v10, v11  }
0x117: {  	v9 =	vsel vm0, v10, v9  }
0x118: {  	s11 =	sadd.s32 $0x1, s11  }
0x119: {  	s12 =	sshrl.u32 s12, $0x3;
	p0 =	sne.s32 s11, $0x32  }
.Ltmp4:
0x11a: {  	[tilespmem:$0x8010] =	vst v9;
	s12 =	sadd.s32 s1, s12;
	(pc) =	sbr.rel @p0 .LBB2_2-.Ltmp4, $4  }
0x11b: {  	[hbm4b:s12+s2] =	stream.linear.scatter [tilespmem:s8], [sflag:$0x2], $0x20, $0x38;
	[tilespmem:$0x8080] =	vst v63  }
0x11c: {  	_ =	swait.ge [sflag:s9], $0x20  }
0x11d: {  	[sflag:s9] =	ssyncset.done $0x0  }
0x11e: {  	[sflag:s9] =	ssyncadd.s32 $0xFFFFFFE0  }
0x11f: {  	s10 =	sadd.s32 $0x1, s10  }
0x120: {  	p0 =	sne.s32 s10, s6  }
.Ltmp5:
0x121: {  	_ = 	snop;
	(pc) =	sbr.rel @p0 .LBB2_1-.Ltmp5, $1  }
0x122: {  	_ =	sdelay $0x3  }
0x123: {  	_ =	sfence.sel $0x180000  }
0x124: {  	[bflag:$0x0] =	sbarrier.arrive $0xFFFF  }
0x125: {  	p0 =	sne.s32 s3, $0x0;
	_ =	strace $0x9000004A  }
0x126: {  	s0 =	sadd.s32 @!p0 $0x100000, s0;
	[bflag:$0x2] =	sbarrier.arrive $0xFFFF  }
0x127: {  	[sflag:s0] =	ssyncadd.tile.s32 @!p0 $0x1;
	_ =	shalt  }
.Lfunc_end2:
_tile_overlayer_lowered:
.L_overlay_start_2:
0x128: {  	(tag) =	ssettag $0x2  }
0x129: {  	s0 =	rddreg [dreg:$0x0];
	s2 =	stileid.u32  }
0x12a: {  	s1 =	rddreg [dreg:$0x1];
	p0 =	sne.s32 s2, $0x0  }
0x12b: {  	s3 =	rddreg [dreg:$0x2];
	[bflag:$0x3] =	sbarrier.arrive $0xFFFF;
	s2 =	simm.s32 @!p0 $0x1C02  }
0x12c: {  	[timem:s3], [sflag:s2] =	dma.local @!p0 [hbm:s0], s1  }
0x12d: {  	s0 =	simm.s32 @!p0 $0x2  }
0x12e: {  	_ =	swait.ge @!p0 [sflag:s0], s1  }
0x12f: {  	s1 =	ssub.s32 @!p0 $0x0, s1;
	[sflag:s0] =	ssyncset.done @!p0 $0x0  }
0x130: {  	[sflag:s0] =	ssyncadd.s32 @!p0 s1  }
0x131: {  	[bflag:$0x3] =	sbarrier.arrive $0xFFFF  }
0x132: {  	_ =	shalt  }

// kernel: sparse-core-data-format-call.cloned.1.call-start
scs
called_computation_lowered:
.L_overlay_start_0:
0x0: {  	s1 =	sld [smem:$0x3FD9]  }
0x1: {  	s2 =	sld [smem:$0x3FFE];
	_ =	sdelay $0x1  }
0x2: {  	s3 =	srdreg.scid  }
0x3: {  	s0 =	sand.u32 $0x1, s3  }
0x4: {  	s17 =	sshll.u32 s0, $0xA;
	s1 =	sadd.s32 s2, s1  }
0x5: {  	s1 =	sadd.s32 s1, s17  }
0x6: {  	[smem:$0x3FC6] =	sst s1  }
0x7: {  	_ = 	snop  }
0x8: {  	(tm) =	ssettm $0x1  }
0x9: {  	s18 =	sld [smem:$0x3FFB];
	_ =	sdelay $0x3  }
0xa: {  	_ =	strace s18  }
0xb: {  	s1 =	sld [smem:$0x3FFC];
	_ =	sdelay $0x3  }
0xc: {  	_ =	strace s1  }
0xd: {  	s1 =	sld [smem:$0x3FFD];
	_ =	sdelay $0x3  }
0xe: {  	_ =	strace s1  }
0xf: {  	_ =	strace $0x8FFFFFFF  }
0x10: {  	s19 =	sld [smem:$0x3FDB];
	_ =	sdelay $0x1  }
0x11: {  	s20 =	simm.s32 $_scs_section_size  }
0x12: {  	s4 =	simm.s32 $_size__tile_overlayer_lowered;
	s5 =	simm.s32 $_tile_overlayer_lowered  }
0x13: {  	s23 =	simm.s32 $0x1BFF;
	s22 =	sshll.u32 s5, $0x1;
	s1 =	sadd.s32 s20, s19  }
0x14: {  	s6 =	simm.s32 $0x0;
	s21 =	sshll.u32 s4, $0x1;
	s4 =	sadd.s32 s22, s1  }
0x15: {  	[timem:s6], [sflag:s23] =	dma.local [hbm:s4], s21  }
0x16: {  	_ =	swait.ge [sflag:s23], s21  }
0x17: {  	s2 =	ssub.s32 $0x0, s21;
	[sflag:s23] =	ssyncset.done $0x0  }
0x18: {  	[sflag:s23] =	ssyncadd.s32 s2;
	_ =	sdelay $0x1  }
0x19: {  	s24 =	simm.s32 $0x1B8B  }
0x1a: {  	_ =	swait.ge [sflag:s24], $0x1  }
0x1b: {  	[sflag:s24] =	ssyncset.done $0x0  }
0x1c: {  	s26 =	simm.s32 $0x1B8E;
	s25 =	sld [smem:$0x3FFE];
	[sflag:s24] =	ssyncadd.s32 $0xFFFFFFFF  }
0x1d: {  	s27 =	simm.s32 $execute0_lowered;
	[smem:$0x3FD2] =	sst s26  }
0x1e: {  	s4 =	sshll.u32 s27, $0x1;
	_ =	strace $0x80000046;
	[dreg:$0x1] =	wrdreg $0xFFFFFFFF  }
0x1f: {  	s28 =	simm.s32 $_size_execute0_lowered;
	s1 =	sadd.s32 s1, s4;
	[dreg:$0x0] =	wrdreg $0x0  }
0x20: {  	s4 =	sshll.u32 s28, $0x1;
	[dreg:$0x2] =	wrdreg s1  }
0x21: {  	[dreg:$0x3] =	wrdreg s4  }
0x22: {  	[dreg:$0x4] =	wrdreg $0xC0  }
0x23: {  	_ =	task [dreg:s6], $0x5FFFF  }
0x24: {  	[dreg:$0x1] =	wrdreg $0xFFFFFFFF  }
0x25: {  	[dreg:$0x0] =	wrdreg $0x60  }
0x26: {  	[dreg:$0x2] =	wrdreg s25  }
0x27: {  	[dreg:$0x3] =	wrdreg $0x9  }
0x28: {  	_ =	task.clear_ibuf [dreg:s6], $0x4FFFF;
	_ =	strace $0x90000046  }
0x29: {  	s29 =	simm.s32 $0x9;
	_ =	strace $0x80000048  }
0x2a: {  	_ =	swait.ge [sflag:s29], $0x1  }
0x2b: {  	[sflag:s29] =	ssyncadd.s32 $0xFFFFFFFF  }
0x2c: {  	_ =	strace $0x90000048  }
0x2d: {  	_ =	sfence  }
0x2e: {  	s30 =	sld [smem:$0x0];
	_ =	sdelay $0x2  }
0x2f: {  	s31 =	sshll.u32 s3, $0xD;
	s3 =	sshrl.u32 s3, $0x2  }
0x30: {  	s2 =	sand.u32 $0x4000, s31;
	s1 =	sadd.s32 s3, s30  }
0x31: {  	s0 =	sor.u32 s2, s0;
	s1 =	sshll.u32 s1, $0x11  }
0x32: {  	s0 =	sor.u32 s1, s0  }
0x33: {  	s0 =	sadd.s32 $0x8F2B, s0  }
0x34: {  	[sflag:s0] =	ssyncadd.remote.s32 $0x1  }
0x35: {  	_ =	sfence.sel $0xFFFF  }
0x36: {  	[dreg:$0x0] =	wrdreg $0xFFFFFFFF;
	(pc) =	sbr.abs _section_cstart, $3  }
0x37: {  	[dreg:$0x1] =	wrdreg $0xFFFFFFFF  }
0x38: {  	_ =	task.clear_ibuf [dreg:s6], $0x2FFFF;
	_ =	strace $0x9FFFFFFF  }
0x39: {  	(tm) =	ssettm $0x7FFFFFFF  }
tec
execute0_lowered:
.L_overlay_start_1:
0x0: {  	(tag) =	ssettag $0x1  }
0x1: {  	s0 =	srdreg.scid  }
0x2: {  	s1 =	sshll.u32 s0, $0x4  }
0x3: {  	s4 =	rddreg [dreg:$0x0];
	s0 =	stileid.u32;
	s1 =	sand.u32 $0x10, s1  }
0x4: {  	s7 =	simm.s32 $0x1;
	s8 =	simm.s32 $0x2;
	s1 =	sor.u32 s0, s1  }
0x5: {  	s9 =	simm.s32 $0x0;
	s12 =	simm.s32 $0x0;
	s2 =	sshll.u32 s1, $0x1  }
0x6: {  	s11 =	simm.s32 $0x0;
	s3 =	sadd.s32 $0xE0E00, s4;
	s6 =	ssub.s32 $0x1900, s2  }
.Ltmp0:
0x7: {  	s4 =	sadd.s32 $0x720E00, s4;
	s5 =	sand.u32 $0x3E, s6;
	(pc) =	sbr.rel .LBB1_1-.Ltmp0, $4  }
0x8: {  	s1 =	rddreg [dreg:$0x1];
	_ =	strace $0x80000047;
	p0 =	sne.s32 s5, $0x0  }
0x9: {  	s6 =	sshrl.u32 s6, $0x6;
	s5 =	simm.s32 $0x1;
	s7 =	simm.s32 @!p0 $0x0  }
0xa: {  	s10 =	smov.u32 s2;
	[sflag:s5] =	ssyncpa.u1 $0x0;
	s6 =	sadd.s32 s7, s6  }
0xb: {  	[sflag:s8] =	ssyncpa.u1 $0x0;
	s8 =	simm.s32 $0x0;
	s7 =	sadd.s32 $0x1, s6  }
.LBB1_9:
0xc: {  	s14 =	sadd.s32 $0x40, s10  }
0xd: {  	p1 =	sgt.s32 s14, $0x18FF  }
0xe: {  	s14 =	smov.u32 @p1 s2;
	p1 =	sne.s32 s11, s7  }
.Ltmp1:
0xf: {  	p0 =	slt.u32 s11, $0x2;
	(pc) =	sbr.rel @!p1 .LBB1_10-.Ltmp1, $4  }
0x10: {  	s13 =	simm.s32 @!p0 $0x2  }
0x11: {  	s15 =	sadd.s32 $0x1, s11;
	_ =	swait.ge @!p0 [sflag:s13], $0x4000  }
0x12: {  	s12 =	smov.u32 s10;
	s9 =	sadd.s32 $0x4000, s9;
	[sflag:s13] =	ssyncset.done @!p0 $0x0  }
0x13: {  	s11 =	smov.u32 s15;
	s10 =	smov.u32 s14;
	[sflag:s13] =	ssyncadd.s32 @!p0 $0xFFFFC000  }
.LBB1_1:
0x14: {  	p0 =	sge.u32 s11, s6  }
0x15: {  	s13 =	sxor.u32 @!p0 $0xFFFFFFFF, s11  }
0x16: {  	s31 =	sadd.s32 $0xFFFFFFFF, s11;
	s14 =	sshll.u32 @!p0 s10, $0xA;
	s13 =	sshll.u32 @!p0 s13, $0xE  }
0x17: {  	s15 =	simm.s32 @!p0 $0x0;
	s14 =	sadd.s32 @!p0 s3, s14;
	s13 =	sand.u32 @!p0 $0x4000, s13  }
0x18: {  	[tilespmem:s13], [sflag:$0x1] =	stream.linear.gather @!p0 [hbm4b:s14+s15], $0x4000, $0x38;
	[tilespmem:$0x10000] =	vst v63  }
0x19: {  	p0 =	sge.u32 s31, s6  }
.Ltmp2:
0x1a: {  	_ = 	snop;
	(pc) =	sbr.rel @p0 .LBB1_9-.Ltmp2, $1  }
0x1b: {  	_ =	sdelay $0x3  }
0x1c: {  	s13 =	sshll.u32 s9, $0x2  }
0x1d: {  	_ =	swait.ge [sflag:s5], $0x4000;
	s14 =	sshll.u32 s11, $0xE;
	s16 =	simm.s32 $0x0  }
0x1e: {  	p1 =	por $0x1, $0x1;
	s13 =	sand.u32 $0x10000, s13;
	[sflag:s5] =	ssyncset.done $0x0  }
0x1f: {  	s14 =	sand.u32 $0x4000, s14;
	s15 =	sshrl.u32 s13, $0x2;
	[sflag:s5] =	ssyncadd.s32 $0xFFFFC000  }
0x20: {  	s13 =	sor.u32 $0x8000, s14;
	s14 =	sadd.s32 $0x8040, s15;
	s15 =	sadd.s32 $0x40, s15  }
.LBB1_3:
0x21: {  	s16 =	sshll.u32 s16, $0x2  }
0x22: {  	p0 =	por p1, p1;
	s17 =	sshra.s32 s16, $0x2  }
0x23: {  	s18 =	simm.s32 $0x0;
	s16 =	sadd.s32 s17, s14;
	s17 =	sadd.s32 s17, s15  }
.LBB1_4:
0x24: {  	v0 =	vmov s17;
	_ =	sdelay $0x3  }
0x25: {  	s20 =	simm.s32 $0x0  }
0x26: {  	v6 =	vld.idx.msk [tilespmem:v0+s20+$0x30 ss:$0x1], $0xffff  }
0x27: {  	v7 =	vld.idx.msk [tilespmem:v0+s20+$0xFFFFFFC0 ss:$0x1], $0xffff  }
0x28: {  	v5 =	vld.idx.msk [tilespmem:v0+s20+$0xFFFFFFD0 ss:$0x1], $0xffff  }
0x29: {  	v4 =	vld.idx.msk [tilespmem:v0+s20+$0xFFFFFFE0 ss:$0x1], $0xffff  }
0x2a: {  	v3 =	vld.idx.msk [tilespmem:v0+s20+$0xFFFFFFF0 ss:$0x1], $0xffff  }
0x2b: {  	v1 =	vld.idx.msk [tilespmem:v0+s20+$0x0 ss:$0x1], $0xffff  }
0x2c: {  	v2 =	vld.idx.msk [tilespmem:v0+s20+$0x10 ss:$0x1], $0xffff;
	[tilespmem:s16+$0x30] =	vst v6  }
0x2d: {  	s19 =	simm.s32 $0x80;
	s21 =	simm.s32 $0x400;
	[tilespmem:s16+$0xFFFFFFC0] =	vst v7;
	v6 =	vld.idx.msk [tilespmem:v0+s20+$0x20 ss:$0x1], $0xffff;
	s20 =	smov.u32 s16  }
.LBB1_5:
0x2e: {  	p1 =	sne.s32 s21, $0xE00;
	v7 =	vld.idx.msk [tilespmem:v0+s19+$0x30 ss:$0x1], $0xffff;
	[tilespmem:s20+$0xFFFFFFD0] =	vst v5  }
0x2f: {  	v8 =	vld.idx.msk [tilespmem:v0+s19+$0xFFFFFFC0 ss:$0x1], $0xffff;
	[tilespmem:s20+$0xFFFFFFE0] =	vst v4  }
0x30: {  	v5 =	vld.idx.msk [tilespmem:v0+s19+$0xFFFFFFD0 ss:$0x1], $0xffff;
	[tilespmem:s20+$0xFFFFFFF0] =	vst v3  }
.Ltmp3:
0x31: {  	v4 =	vld.idx.msk [tilespmem:v0+s19+$0xFFFFFFE0 ss:$0x1], $0xffff;
	[tilespmem:s20+$0x0] =	vst v1;
	(pc) =	sbr.rel @p1 .LBB1_5-.Ltmp3, $4  }
0x32: {  	v3 =	vld.idx.msk [tilespmem:v0+s19+$0xFFFFFFF0 ss:$0x1], $0xffff;
	[tilespmem:s20+$0x10] =	vst v2  }
0x33: {  	v1 =	vld.idx.msk [tilespmem:v0+s19+$0x0 ss:$0x1], $0xffff;
	[tilespmem:s20+$0x20] =	vst v6;
	s20 =	sadd.s32 $0x400, s20  }
0x34: {  	v2 =	vld.idx.msk [tilespmem:v0+s19+$0x10 ss:$0x1], $0xffff;
	[tilespmem:s20+$0x30] =	vst v7  }
0x35: {  	[tilespmem:s20+$0xFFFFFFC0] =	vst v8;
	v6 =	vld.idx.msk [tilespmem:v0+s19+$0x20 ss:$0x1], $0xffff;
	s19 =	sshra.s32 s21, $0x2;
	s21 =	sadd.s32 $0x200, s21  }
0x36: {  	_ =	sdelay $0x2  }
0x37: {  	[tilespmem:s20+$0xFFFFFFD0] =	vst v5  }
0x38: {  	v56 =	vld.idx.msk [tilespmem:v0+s19+$0x30 ss:$0x1], $0xffff;
	[tilespmem:s20+$0xFFFFFFE0] =	vst v4  }
0x39: {  	v57 =	vld.idx.msk [tilespmem:v0+s19+$0xFFFFFFC0 ss:$0x1], $0xffff;
	[tilespmem:s20+$0xFFFFFFF0] =	vst v3  }
0x3a: {  	v58 =	vld.idx.msk [tilespmem:v0+s19+$0xFFFFFFD0 ss:$0x1], $0xffff;
	[tilespmem:s20+$0x0] =	vst v1  }
0x3b: {  	v59 =	vld.idx.msk [tilespmem:v0+s19+$0xFFFFFFE0 ss:$0x1], $0xffff;
	[tilespmem:s20+$0x10] =	vst v2  }
0x3c: {  	v60 =	vld.idx.msk [tilespmem:v0+s19+$0xFFFFFFF0 ss:$0x1], $0xffff;
	s31 =	sadd.s32 $0x400, s20;
	[tilespmem:s20+$0x20] =	vst v6  }
0x3d: {  	v61 =	vld.idx.msk [tilespmem:v0+s19+$0x0 ss:$0x1], $0xffff;
	[tilespmem:s31+$0x30] =	vst v56  }
0x3e: {  	v62 =	vld.idx.msk [tilespmem:v0+s19+$0x10 ss:$0x1], $0xffff;
	s18 =	sadd.s32 $0x1, s18;
	[tilespmem:s31+$0xFFFFFFC0] =	vst v57  }
0x3f: {  	v63 =	vld.idx.msk [tilespmem:v0+s19+$0x20 ss:$0x1], $0xffff;
	p1 =	sne.s32 s18, $0x8;
	[tilespmem:s31+$0xFFFFFFD0] =	vst v58  }
.Ltmp4:
0x40: {  	[tilespmem:s31+$0xFFFFFFE0] =	vst v59;
	(pc) =	sbr.rel @p1 .LBB1_4-.Ltmp4, $4  }
0x41: {  	[tilespmem:s31+$0xFFFFFFF0] =	vst v60  }
0x42: {  	[tilespmem:s31+$0x0] =	vst v61  }
0x43: {  	[tilespmem:s31+$0x10] =	vst v62  }
0x44: {  	s16 =	sadd.s32 $0x80, s16;
	s17 =	sadd.s32 $0x400, s17;
	[tilespmem:s31+$0x20] =	vst v63  }
.Ltmp5:
0x45: {  	(pc) =	sbr.rel @p0 .LBB1_3-.Ltmp5, $2  }
0x46: {  	_ =	sdelay $0x2  }
0x47: {  	s16 =	simm.s32 $0x2000;
	p1 =	por $0x0, $0x0  }
.Ltmp6:
0x48: {  	(pc) =	sbr.rel .LBB1_9-.Ltmp6, $4  }
0x49: {  	_ = 	snop  }
0x4a: {  	s12 =	sshll.u32 s12, $0xA  }
0x4b: {  	s12 =	sadd.s32 s4, s12  }
0x4c: {  	[hbm4b:s12+s8] =	stream.linear.scatter [tilespmem:s13], [sflag:$0x2], $0x4000, $0x38;
	[tilespmem:$0x10000] =	vst v63  }
.LBB1_10:
0x4d: {  	_ =	sfence.sel $0x180000  }
0x4e: {  	s2 =	simm.s32 $0x1;
	[bflag:$0x0] =	sbarrier.arrive $0xFFFF  }
0x4f: {  	s31 =	simm.s32 $0x2;
	[sflag:s2] =	ssyncpa.u1 $0x1  }
0x50: {  	[sflag:s31] =	ssyncpa.u1 $0x1  }
0x51: {  	p0 =	sne.s32 s0, $0x0;
	_ =	strace $0x90000047  }
0x52: {  	s0 =	sadd.s32 @!p0 $0x100000, s1;
	[bflag:$0x2] =	sbarrier.arrive $0xFFFF  }
0x53: {  	[sflag:s0] =	ssyncadd.tile.s32 @!p0 $0x1;
	_ =	shalt  }
.Lfunc_end1:
_tile_overlayer_lowered:
.L_overlay_start_2:
0x54: {  	(tag) =	ssettag $0x2  }
0x55: {  	s0 =	rddreg [dreg:$0x0];
	s2 =	stileid.u32  }
0x56: {  	s1 =	rddreg [dreg:$0x1];
	p0 =	sne.s32 s2, $0x0  }
0x57: {  	s3 =	rddreg [dreg:$0x2];
	[bflag:$0x3] =	sbarrier.arrive $0xFFFF;
	s2 =	simm.s32 @!p0 $0x1C01  }
0x58: {  	[timem:s3], [sflag:s2] =	dma.local @!p0 [hbm:s0], s1  }
0x59: {  	s0 =	simm.s32 @!p0 $0x1  }
0x5a: {  	_ =	swait.ge @!p0 [sflag:s0], s1  }
0x5b: {  	s1 =	ssub.s32 @!p0 $0x0, s1;
	[sflag:s0] =	ssyncset.done @!p0 $0x0  }
0x5c: {  	[sflag:s0] =	ssyncadd.s32 @!p0 s1  }
0x5d: {  	[bflag:$0x3] =	sbarrier.arrive $0xFFFF  }
0x5e: {  	_ =	shalt  }

</sc_bundles>
